<compile_context>
chip_gen: v7x
topology: tpu7x:2x2x1
jax: 0.10.2.dev20260603
libtpu: 0.0.44.dev20260713+nightly
codegen_flags: <defaults>
</compile_context>

<pallas_src>
import functools

import jax
import jax.numpy as jnp
from jax import lax
from jax.experimental import pallas as pl
from jax.experimental.pallas import tpu as pltpu
from jax.experimental.pallas import tpu_sc as plsc

_NC = 2
_NS = 16
_NW = _NC * _NS
_L = 16
_CHUNK = 128


def _sc_aggregate(src_p, dst_p, x, nodes_p, n_acc):
    n_nodes, d = x.shape
    e_pad = src_p.shape[0]
    b_pad = nodes_p.shape[0]
    e_per_w = e_pad // _NW
    n_echunks = e_per_w // _CHUNK
    b_per_s = b_pad // _NS
    n_pchunks = b_per_s // _CHUNK
    b_per_w = b_pad // _NW
    n_xchunks = b_per_w // _CHUNK
    rpt = n_acc // _NS

    mesh = plsc.VectorSubcoreMesh(core_axis_name="c", subcore_axis_name="s")

    @functools.partial(
        pl.kernel,
        out_type=(
            jax.ShapeDtypeStruct((_NC, b_pad, d), jnp.float32),
            jax.ShapeDtypeStruct((b_pad, d), jnp.float32),
            jax.ShapeDtypeStruct((_NC, b_pad), jnp.float32),
        ),
        mesh=mesh,
        scratch_types=[
            pltpu.VMEM_SHARED((n_acc, d), jnp.float32),
            pltpu.VMEM_SHARED((n_acc,), jnp.float32),
            pltpu.VMEM((_CHUNK,), jnp.int32),
            pltpu.VMEM((_CHUNK,), jnp.int32),
            pltpu.VMEM((_CHUNK, d), jnp.float32),
            pltpu.VMEM((_CHUNK,), jnp.float32),
            pltpu.SemaphoreType.DMA,
        ],
    )
    def k(src_h, dst_h, x_h, nodes_h, psb_h, xb_h, degb_h,
          acc, deg, isrc, idst, rows, ones, sem):
        cid = lax.axis_index("c")
        sid = lax.axis_index("s")
        wid = cid * _NS + sid

        zv = jnp.zeros((_L,), jnp.float32)

        @pl.loop(0, _CHUNK)
        def _zrow(r):
            for c in range(d // _L):
                rows[r, pl.ds(c * _L, _L)] = zv

        for c in range(_CHUNK // _L):
            ones[pl.ds(c * _L, _L)] = zv

        base = sid * rpt
        off = 0
        for _ in range(rpt // _CHUNK):
            pltpu.sync_copy(rows, acc.at[pl.ds(base + off, _CHUNK)])
            pltpu.sync_copy(ones, deg.at[pl.ds(base + off, _CHUNK)])
            off += _CHUNK
        rem = rpt - off
        if rem:
            pltpu.sync_copy(rows.at[pl.ds(0, rem)], acc.at[pl.ds(base + off, rem)])
            pltpu.sync_copy(ones.at[pl.ds(0, rem)], deg.at[pl.ds(base + off, rem)])

        ov = jnp.ones((_L,), jnp.float32)
        for c in range(_CHUNK // _L):
            ones[pl.ds(c * _L, _L)] = ov

        plsc.subcore_barrier()

        ebase = wid * e_per_w

        @pl.loop(0, n_echunks)
        def _edges(i):
            e0 = ebase + i * _CHUNK
            pltpu.sync_copy(src_h.at[pl.ds(e0, _CHUNK)], isrc)
            pltpu.sync_copy(dst_h.at[pl.ds(e0, _CHUNK)], idst)
            pltpu.async_copy(x_h.at[isrc], rows, sem).wait()
            pltpu.sync_copy(rows, acc.at[idst], add=True)
            pltpu.sync_copy(ones, deg.at[idst], add=True)

        plsc.subcore_barrier()

        @pl.loop(0, n_pchunks)
        def _psb(k_):
            nb = sid * b_per_s + k_ * _CHUNK
            pltpu.sync_copy(nodes_h.at[pl.ds(nb, _CHUNK)], idst)
            pltpu.async_copy(acc.at[idst], rows, sem).wait()
            pltpu.sync_copy(rows, psb_h.at[cid, pl.ds(nb, _CHUNK)])
            pltpu.async_copy(deg.at[idst], ones, sem).wait()
            pltpu.sync_copy(ones, degb_h.at[cid, pl.ds(nb, _CHUNK)])

        @pl.loop(0, n_xchunks)
        def _xb(k_):
            nb = wid * b_per_w + k_ * _CHUNK
            pltpu.sync_copy(nodes_h.at[pl.ds(nb, _CHUNK)], idst)
            pltpu.async_copy(x_h.at[idst], rows, sem).wait()
            pltpu.sync_copy(rows, xb_h.at[pl.ds(nb, _CHUNK)])

    return k(src_p, dst_p, x, nodes_p)


def _tc_body(xb_ref, p0_ref, p1_ref, d0_ref, d1_ref, we_ref, wo_ref, b_ref,
             o_ref):
    deg = d0_ref[...] + d1_ref[...]
    nm = (p0_ref[...] + p1_ref[...]) / jnp.maximum(deg, 1.0)
    cat = jnp.concatenate([xb_ref[...], nm], axis=1)
    h = lax.dot_general(cat, we_ref[...], (((1,), (1,)), ((), ())),
                        preferred_element_type=jnp.float32)
    h = jnp.maximum(h, 0.0)
    o = lax.dot_general(h, wo_ref[...], (((1,), (1,)), ((), ())),
                        preferred_element_type=jnp.float32)
    o_ref[...] = o + b_ref[...]


def kernel(nodes, x, edge_index, W_enc, W_out, b_out):
    n_nodes, d = x.shape
    n_edges = edge_index.shape[1]
    batch = nodes.shape[0]
    d_out = W_out.shape[0]

    grain = _NW * _CHUNK
    e_pad = -(-n_edges // grain) * grain
    src_p = jnp.concatenate(
        [edge_index[0], jnp.zeros((e_pad - n_edges,), jnp.int32)])
    dst_p = jnp.concatenate(
        [edge_index[1], jnp.full((e_pad - n_edges,), n_nodes, jnp.int32)])
    n_acc = -(-(n_nodes + 1) // (_NS * 8)) * (_NS * 8)
    b_pad = -(-batch // grain) * grain
    nodes_p = jnp.concatenate(
        [nodes, jnp.zeros((b_pad - batch,), jnp.int32)])

    psb, xb, degb = _sc_aggregate(src_p, dst_p, x, nodes_p, n_acc)

    bb = min(1024, b_pad)
    out = pl.pallas_call(
        _tc_body,
        grid=(b_pad // bb,),
        in_specs=[
            pl.BlockSpec((bb, d), lambda i: (i, 0)),
            pl.BlockSpec((bb, d), lambda i: (i, 0)),
            pl.BlockSpec((bb, d), lambda i: (i, 0)),
            pl.BlockSpec((bb, 1), lambda i: (i, 0)),
            pl.BlockSpec((bb, 1), lambda i: (i, 0)),
            pl.BlockSpec((W_enc.shape[0], 2 * d), lambda i: (0, 0)),
            pl.BlockSpec((d_out, W_out.shape[1]), lambda i: (0, 0)),
            pl.BlockSpec((1, d_out), lambda i: (0, 0)),
        ],
        out_specs=pl.BlockSpec((bb, d_out), lambda i: (i, 0)),
        out_shape=jax.ShapeDtypeStruct((b_pad, d_out), jnp.float32),
    )(xb, psb[0], psb[1], degb[0].reshape(b_pad, 1), degb[1].reshape(b_pad, 1),
      W_enc, W_out, b_out.reshape(1, d_out))
    return out[:batch]

# --- scband reference (transcript-rebuilt; emitter-appended) ---
"""Pipeline reference for scband-graph-sage-87892210745486 (READ-ONLY COPY).

The authoritative reference and input builder live on the scoring server;
editing this copy changes nothing except your own understanding.
"""

import jax, jax.numpy as jnp
import numpy as np

N_NODES = 10000
N_EDGES = 320000
D_FEAT = 128
D_HID = 128
D_OUT = 128
BATCH = 8192


def setup_inputs(seed: int = 0) -> dict:
    key = jax.random.key(seed)
    k1, k2, k3, k4, k5 = jax.random.split(key, 5)
    x = jax.random.normal(k1, (N_NODES, D_FEAT), dtype=jnp.float32)
    # int32 used on-device (JAX downcasts int64 without x64 mode); values in [0, N_NODES)
    edge_index = jax.random.randint(k2, (2, N_EDGES), 0, N_NODES, dtype=jnp.int32)
    nodes = jax.random.randint(k3, (BATCH,), 0, N_NODES, dtype=jnp.int32)
    # Encoder weight operates on concat([self_feat, neigh_mean]) -> hidden
    W_enc = jax.random.normal(k4, (D_HID, 2 * D_FEAT), dtype=jnp.float32) * (1.0 / np.sqrt(2 * D_FEAT))
    W_out = jax.random.normal(k5, (D_OUT, D_HID), dtype=jnp.float32) * (1.0 / np.sqrt(D_HID))
    b_out = jnp.zeros((D_OUT,), dtype=jnp.float32)
    return {"nodes": nodes, "x": x, "edge_index": edge_index, "W_enc": W_enc, "W_out": W_out, "b_out": b_out}


def reference(nodes, x, edge_index, W_enc, W_out, b_out):
    n_nodes = x.shape[0]
    src = edge_index[0]
    dst = edge_index[1]
    # mean aggregator: gather neighbor (src) features, scatter-add into dst
    msgs = jnp.take(x, src, axis=0)
    neigh_sum = jax.ops.segment_sum(msgs, dst, num_segments=n_nodes)
    deg = jax.ops.segment_sum(jnp.ones((src.shape[0],), dtype=x.dtype), dst, num_segments=n_nodes)
    neigh_mean = neigh_sum / jnp.maximum(deg, 1.0)[:, None]
    # Encoder: concat self features with aggregated neighborhood, linear + relu
    h = jnp.concatenate([x, neigh_mean], axis=1)
    h = jax.nn.relu(h @ W_enc.T)
    # select embeddings for the requested nodes, then output layer
    emb = jnp.take(h, nodes, axis=0)
    out = emb @ W_out.T + b_out
    return out

if __name__ == "__main__":
    import jax
    _d = setup_inputs()
    print(jax.jit(kernel)(*tuple(_d.values())))

</pallas_src>

<mosaic_0001>
#map = affine_map<(d0, d1) -> (0)>
#map1 = affine_map<(d0, d1) -> (0, 0)>
#map2 = affine_map<(d0, d1) -> (0, 0, 0)>
module attributes {stable_mosaic.version = 14 : i64} {
  func.func @k(%arg0: i32, %arg1: i32, %arg2: memref<323584xi32, #tpu.memory_space<hbm>>, %arg3: memref<323584xi32, #tpu.memory_space<hbm>>, %arg4: memref<10000x128xf32, #tpu.memory_space<hbm>>, %arg5: memref<8192xi32, #tpu.memory_space<hbm>>, %arg6: memref<2x8192x128xf32, #tpu.memory_space<hbm>>, %arg7: memref<8192x128xf32, #tpu.memory_space<hbm>>, %arg8: memref<2x8192xf32, #tpu.memory_space<hbm>>, %arg9: memref<10112x128xf32, #tpu.memory_space<vmem_shared>>, %arg10: memref<10112xf32, #tpu.memory_space<vmem_shared>>, %arg11: memref<128xi32, #tpu.memory_space<vmem>>, %arg12: memref<128xi32, #tpu.memory_space<vmem>>, %arg13: memref<128x128xf32, #tpu.memory_space<vmem>>, %arg14: memref<128xf32, #tpu.memory_space<vmem>>, %arg15: memref<!tpu.dma_semaphore, #tpu.memory_space<semaphore_mem>>) attributes {dimension_semantics = [#tpu.dimension_semantics<core_parallel>, #tpu.dimension_semantics<subcore_parallel>], iteration_bounds = array<i64: 2, 16>, scalar_prefetch = 0 : i64, scratch_operands = 7 : i64, tpu.core_type = #tpu.core_type<sc_vector_subcore>, window_params = [{transform_indices = #map}, {transform_indices = #map}, {transform_indices = #map1}, {transform_indices = #map}, {transform_indices = #map2}, {transform_indices = #map1}, {transform_indices = #map1}]} {
    %mul3A = arith.constant 16 : i32
    %mul3A_0 = arith.muli %arg0, %mul3A : i32
    %add3A = arith.addi %mul3A_0, %arg1 : i32
    %broadcast_in_dim3A = arith.constant 0.000000e+00 : f32
    %broadcast_in_dim3A_1 = vector.broadcast %broadcast_in_dim3A : f32 to vector<16xf32>
    %scan3A = arith.constant 0 : i32
    %scan3A_2 = arith.constant 128 : i32
    %scan3A_3 = arith.addi %scan3A, %scan3A_2 : i32
    %scan3A_4 = arith.constant 1 : i32
    scf.for %scan3A_111 = %scan3A to %scan3A_3 step %scan3A_4  : i32 {
      %mul3A_112 = arith.constant 1 : i32
      %mul3A_113 = arith.muli %scan3A_111, %mul3A_112 : i32
      %add3A_114 = arith.constant 0 : i32
      %add3A_115 = arith.addi %add3A_114, %mul3A_113 : i32
      %swap3A_116 = arith.index_cast %add3A_115 : i32 to index
      %swap3A_117 = arith.constant 0 : index
      %swap3A_118 = tpu.vector_load %arg13[%swap3A_116, %swap3A_117] {strides = array<i32>} : memref<128x128xf32, #tpu.memory_space<vmem>>, vector<1x16xf32>,
      %swap3A_119 = vector.shape_cast %swap3A_118 : vector<1x16xf32> to vector<16xf32>
      %swap3A_120 = vector.shape_cast %broadcast_in_dim3A_1 : vector<16xf32> to vector<1x16xf32>
      tpu.vector_store %arg13[%swap3A_116, %swap3A_117], %swap3A_120 {strides = array<i32>} : memref<128x128xf32, #tpu.memory_space<vmem>>, vector<1x16xf32>,
      %swap3A_121 = arith.index_cast %add3A_115 : i32 to index
      %swap3A_122 = arith.constant 16 : index
      %swap3A_123 = tpu.vector_load %arg13[%swap3A_121, %swap3A_122] {strides = array<i32>} : memref<128x128xf32, #tpu.memory_space<vmem>>, vector<1x16xf32>,
      %swap3A_124 = vector.shape_cast %swap3A_123 : vector<1x16xf32> to vector<16xf32>
      %swap3A_125 = vector.shape_cast %broadcast_in_dim3A_1 : vector<16xf32> to vector<1x16xf32>
      tpu.vector_store %arg13[%swap3A_121, %swap3A_122], %swap3A_125 {strides = array<i32>} : memref<128x128xf32, #tpu.memory_space<vmem>>, vector<1x16xf32>,
      %swap3A_126 = arith.index_cast %add3A_115 : i32 to index
      %swap3A_127 = arith.constant 32 : index
      %swap3A_128 = tpu.vector_load %arg13[%swap3A_126, %swap3A_127] {strides = array<i32>} : memref<128x128xf32, #tpu.memory_space<vmem>>, vector<1x16xf32>,
      %swap3A_129 = vector.shape_cast %swap3A_128 : vector<1x16xf32> to vector<16xf32>
      %swap3A_130 = vector.shape_cast %broadcast_in_dim3A_1 : vector<16xf32> to vector<1x16xf32>
      tpu.vector_store %arg13[%swap3A_126, %swap3A_127], %swap3A_130 {strides = array<i32>} : memref<128x128xf32, #tpu.memory_space<vmem>>, vector<1x16xf32>,
      %swap3A_131 = arith.index_cast %add3A_115 : i32 to index
      %swap3A_132 = arith.constant 48 : index
      %swap3A_133 = tpu.vector_load %arg13[%swap3A_131, %swap3A_132] {strides = array<i32>} : memref<128x128xf32, #tpu.memory_space<vmem>>, vector<1x16xf32>,
      %swap3A_134 = vector.shape_cast %swap3A_133 : vector<1x16xf32> to vector<16xf32>
      %swap3A_135 = vector.shape_cast %broadcast_in_dim3A_1 : vector<16xf32> to vector<1x16xf32>
      tpu.vector_store %arg13[%swap3A_131, %swap3A_132], %swap3A_135 {strides = array<i32>} : memref<128x128xf32, #tpu.memory_space<vmem>>, vector<1x16xf32>,
      %swap3A_136 = arith.index_cast %add3A_115 : i32 to index
      %swap3A_137 = arith.constant 64 : index
      %swap3A_138 = tpu.vector_load %arg13[%swap3A_136, %swap3A_137] {strides = array<i32>} : memref<128x128xf32, #tpu.memory_space<vmem>>, vector<1x16xf32>,
      %swap3A_139 = vector.shape_cast %swap3A_138 : vector<1x16xf32> to vector<16xf32>
      %swap3A_140 = vector.shape_cast %broadcast_in_dim3A_1 : vector<16xf32> to vector<1x16xf32>
      tpu.vector_store %arg13[%swap3A_136, %swap3A_137], %swap3A_140 {strides = array<i32>} : memref<128x128xf32, #tpu.memory_space<vmem>>, vector<1x16xf32>,
      %swap3A_141 = arith.index_cast %add3A_115 : i32 to index
      %swap3A_142 = arith.constant 80 : index
      %swap3A_143 = tpu.vector_load %arg13[%swap3A_141, %swap3A_142] {strides = array<i32>} : memref<128x128xf32, #tpu.memory_space<vmem>>, vector<1x16xf32>,
      %swap3A_144 = vector.shape_cast %swap3A_143 : vector<1x16xf32> to vector<16xf32>
      %swap3A_145 = vector.shape_cast %broadcast_in_dim3A_1 : vector<16xf32> to vector<1x16xf32>
      tpu.vector_store %arg13[%swap3A_141, %swap3A_142], %swap3A_145 {strides = array<i32>} : memref<128x128xf32, #tpu.memory_space<vmem>>, vector<1x16xf32>,
      %swap3A_146 = arith.index_cast %add3A_115 : i32 to index
      %swap3A_147 = arith.constant 96 : index
      %swap3A_148 = tpu.vector_load %arg13[%swap3A_146, %swap3A_147] {strides = array<i32>} : memref<128x128xf32, #tpu.memory_space<vmem>>, vector<1x16xf32>,
      %swap3A_149 = vector.shape_cast %swap3A_148 : vector<1x16xf32> to vector<16xf32>
      %swap3A_150 = vector.shape_cast %broadcast_in_dim3A_1 : vector<16xf32> to vector<1x16xf32>
      tpu.vector_store %arg13[%swap3A_146, %swap3A_147], %swap3A_150 {strides = array<i32>} : memref<128x128xf32, #tpu.memory_space<vmem>>, vector<1x16xf32>,
      %swap3A_151 = arith.index_cast %add3A_115 : i32 to index
      %swap3A_152 = arith.constant 112 : index
      %swap3A_153 = tpu.vector_load %arg13[%swap3A_151, %swap3A_152] {strides = array<i32>} : memref<128x128xf32, #tpu.memory_space<vmem>>, vector<1x16xf32>,
      %swap3A_154 = vector.shape_cast %swap3A_153 : vector<1x16xf32> to vector<16xf32>
      %swap3A_155 = vector.shape_cast %broadcast_in_dim3A_1 : vector<16xf32> to vector<1x16xf32>
      tpu.vector_store %arg13[%swap3A_151, %swap3A_152], %swap3A_155 {strides = array<i32>} : memref<128x128xf32, #tpu.memory_space<vmem>>, vector<1x16xf32>,
    }
    %scan3A_5 = arith.constant 128 : i32
    %swap3A = arith.constant 0 : index
    %swap3A_6 = tpu.vector_load %arg14[%swap3A] {strides = array<i32>} : memref<128xf32, #tpu.memory_space<vmem>>, vector<16xf32>,
    %swap3A_7 = vector.shape_cast %swap3A_6 : vector<16xf32> to vector<16xf32>
    %swap3A_8 = vector.shape_cast %broadcast_in_dim3A_1 : vector<16xf32> to vector<16xf32>
    tpu.vector_store %arg14[%swap3A], %swap3A_8 {strides = array<i32>} : memref<128xf32, #tpu.memory_space<vmem>>, vector<16xf32>,
    %swap3A_9 = arith.constant 16 : index
    %swap3A_10 = tpu.vector_load %arg14[%swap3A_9] {strides = array<i32>} : memref<128xf32, #tpu.memory_space<vmem>>, vector<16xf32>,
    %swap3A_11 = vector.shape_cast %swap3A_10 : vector<16xf32> to vector<16xf32>
    %swap3A_12 = vector.shape_cast %broadcast_in_dim3A_1 : vector<16xf32> to vector<16xf32>
    tpu.vector_store %arg14[%swap3A_9], %swap3A_12 {strides = array<i32>} : memref<128xf32, #tpu.memory_space<vmem>>, vector<16xf32>,
    %swap3A_13 = arith.constant 32 : index
    %swap3A_14 = tpu.vector_load %arg14[%swap3A_13] {strides = array<i32>} : memref<128xf32, #tpu.memory_space<vmem>>, vector<16xf32>,
    %swap3A_15 = vector.shape_cast %swap3A_14 : vector<16xf32> to vector<16xf32>
    %swap3A_16 = vector.shape_cast %broadcast_in_dim3A_1 : vector<16xf32> to vector<16xf32>
    tpu.vector_store %arg14[%swap3A_13], %swap3A_16 {strides = array<i32>} : memref<128xf32, #tpu.memory_space<vmem>>, vector<16xf32>,
    %swap3A_17 = arith.constant 48 : index
    %swap3A_18 = tpu.vector_load %arg14[%swap3A_17] {strides = array<i32>} : memref<128xf32, #tpu.memory_space<vmem>>, vector<16xf32>,
    %swap3A_19 = vector.shape_cast %swap3A_18 : vector<16xf32> to vector<16xf32>
    %swap3A_20 = vector.shape_cast %broadcast_in_dim3A_1 : vector<16xf32> to vector<16xf32>
    tpu.vector_store %arg14[%swap3A_17], %swap3A_20 {strides = array<i32>} : memref<128xf32, #tpu.memory_space<vmem>>, vector<16xf32>,
    %swap3A_21 = arith.constant 64 : index
    %swap3A_22 = tpu.vector_load %arg14[%swap3A_21] {strides = array<i32>} : memref<128xf32, #tpu.memory_space<vmem>>, vector<16xf32>,
    %swap3A_23 = vector.shape_cast %swap3A_22 : vector<16xf32> to vector<16xf32>
    %swap3A_24 = vector.shape_cast %broadcast_in_dim3A_1 : vector<16xf32> to vector<16xf32>
    tpu.vector_store %arg14[%swap3A_21], %swap3A_24 {strides = array<i32>} : memref<128xf32, #tpu.memory_space<vmem>>, vector<16xf32>,
    %swap3A_25 = arith.constant 80 : index
    %swap3A_26 = tpu.vector_load %arg14[%swap3A_25] {strides = array<i32>} : memref<128xf32, #tpu.memory_space<vmem>>, vector<16xf32>,
    %swap3A_27 = vector.shape_cast %swap3A_26 : vector<16xf32> to vector<16xf32>
    %swap3A_28 = vector.shape_cast %broadcast_in_dim3A_1 : vector<16xf32> to vector<16xf32>
    tpu.vector_store %arg14[%swap3A_25], %swap3A_28 {strides = array<i32>} : memref<128xf32, #tpu.memory_space<vmem>>, vector<16xf32>,
    %swap3A_29 = arith.constant 96 : index
    %swap3A_30 = tpu.vector_load %arg14[%swap3A_29] {strides = array<i32>} : memref<128xf32, #tpu.memory_space<vmem>>, vector<16xf32>,
    %swap3A_31 = vector.shape_cast %swap3A_30 : vector<16xf32> to vector<16xf32>
    %swap3A_32 = vector.shape_cast %broadcast_in_dim3A_1 : vector<16xf32> to vector<16xf32>
    tpu.vector_store %arg14[%swap3A_29], %swap3A_32 {strides = array<i32>} : memref<128xf32, #tpu.memory_space<vmem>>, vector<16xf32>,
    %swap3A_33 = arith.constant 112 : index
    %swap3A_34 = tpu.vector_load %arg14[%swap3A_33] {strides = array<i32>} : memref<128xf32, #tpu.memory_space<vmem>>, vector<16xf32>,
    %swap3A_35 = vector.shape_cast %swap3A_34 : vector<16xf32> to vector<16xf32>
    %swap3A_36 = vector.shape_cast %broadcast_in_dim3A_1 : vector<16xf32> to vector<16xf32>
    tpu.vector_store %arg14[%swap3A_33], %swap3A_36 {strides = array<i32>} : memref<128xf32, #tpu.memory_space<vmem>>, vector<16xf32>,
    %mul3A_37 = arith.constant 632 : i32
    %mul3A_38 = arith.muli %arg1, %mul3A_37 : i32
    %add3A_39 = arith.constant 0 : i32
    %add3A_40 = arith.addi %mul3A_38, %add3A_39 : i32
    "tpu.region"() ({
      %run_scoped3A = tpu.sem_alloc : memref<!tpu.dma_semaphore, #tpu.memory_space<semaphore_mem>>
      %dma_start3A = arith.constant 0 : i32
      %dma_start3A_111 = tpu.memref_slice %arg9[%add3A_40, %dma_start3A] : memref<10112x128xf32, #tpu.memory_space<vmem_shared>> -> memref<128x128xf32, #tpu.memory_space<vmem_shared>>
      %dma_start3A_112 = arith.constant 0 : i32
      %dma_start3A_113 = tpu.memref_slice %arg9[%add3A_40, %dma_start3A_112] : memref<10112x128xf32, #tpu.memory_space<vmem_shared>> -> memref<128x128xf32, #tpu.memory_space<vmem_shared>>
      tpu.enqueue_dma source(%arg13 : memref<128x128xf32, #tpu.memory_space<vmem>>) target(%dma_start3A_113 : memref<128x128xf32, #tpu.memory_space<vmem_shared>>) target_semaphore(%run_scoped3A : memref<!tpu.dma_semaphore, #tpu.memory_space<semaphore_mem>>)
      %dma_wait3A = arith.constant 0 : i32
      %dma_wait3A_114 = tpu.memref_slice %arg9[%add3A_40, %dma_wait3A] : memref<10112x128xf32, #tpu.memory_space<vmem_shared>> -> memref<128x128xf32, #tpu.memory_space<vmem_shared>>
      %dma_wait3A_115 = arith.constant 0 : i32
      %dma_wait3A_116 = tpu.memref_slice %arg9[%add3A_40, %dma_wait3A_115] : memref<10112x128xf32, #tpu.memory_space<vmem_shared>> -> memref<128x128xf32, #tpu.memory_space<vmem_shared>>
      tpu.wait_dma2 semaphore(%run_scoped3A : memref<!tpu.dma_semaphore, #tpu.memory_space<semaphore_mem>>) src(%arg13 : memref<128x128xf32, #tpu.memory_space<vmem>>) dst(%dma_wait3A_116 : memref<128x128xf32, #tpu.memory_space<vmem_shared>>)
      tpu.yield
    }) : () -> ()
    %add3A_41 = arith.constant 0 : i32
    %add3A_42 = arith.addi %mul3A_38, %add3A_41 : i32
    "tpu.region"() ({
      %run_scoped3A = tpu.sem_alloc : memref<!tpu.dma_semaphore, #tpu.memory_space<semaphore_mem>>
      %dma_start3A = tpu.memref_slice %arg10[%add3A_42] : memref<10112xf32, #tpu.memory_space<vmem_shared>> -> memref<128xf32, #tpu.memory_space<vmem_shared>>
      %dma_start3A_111 = tpu.memref_slice %arg10[%add3A_42] : memref<10112xf32, #tpu.memory_space<vmem_shared>> -> memref<128xf32, #tpu.memory_space<vmem_shared>>
      tpu.enqueue_dma source(%arg14 : memref<128xf32, #tpu.memory_space<vmem>>) target(%dma_start3A_111 : memref<128xf32, #tpu.memory_space<vmem_shared>>) target_semaphore(%run_scoped3A : memref<!tpu.dma_semaphore, #tpu.memory_space<semaphore_mem>>)
      %dma_wait3A = tpu.memref_slice %arg10[%add3A_42] : memref<10112xf32, #tpu.memory_space<vmem_shared>> -> memref<128xf32, #tpu.memory_space<vmem_shared>>
      %dma_wait3A_112 = tpu.memref_slice %arg10[%add3A_42] : memref<10112xf32, #tpu.memory_space<vmem_shared>> -> memref<128xf32, #tpu.memory_space<vmem_shared>>
      tpu.wait_dma2 semaphore(%run_scoped3A : memref<!tpu.dma_semaphore, #tpu.memory_space<semaphore_mem>>) src(%arg14 : memref<128xf32, #tpu.memory_space<vmem>>) dst(%dma_wait3A_112 : memref<128xf32, #tpu.memory_space<vmem_shared>>)
      tpu.yield
    }) : () -> ()
    %add3A_43 = arith.constant 128 : i32
    %add3A_44 = arith.addi %mul3A_38, %add3A_43 : i32
    "tpu.region"() ({
      %run_scoped3A = tpu.sem_alloc : memref<!tpu.dma_semaphore, #tpu.memory_space<semaphore_mem>>
      %dma_start3A = arith.constant 0 : i32
      %dma_start3A_111 = tpu.memref_slice %arg9[%add3A_44, %dma_start3A] : memref<10112x128xf32, #tpu.memory_space<vmem_shared>> -> memref<128x128xf32, #tpu.memory_space<vmem_shared>>
      %dma_start3A_112 = arith.constant 0 : i32
      %dma_start3A_113 = tpu.memref_slice %arg9[%add3A_44, %dma_start3A_112] : memref<10112x128xf32, #tpu.memory_space<vmem_shared>> -> memref<128x128xf32, #tpu.memory_space<vmem_shared>>
      tpu.enqueue_dma source(%arg13 : memref<128x128xf32, #tpu.memory_space<vmem>>) target(%dma_start3A_113 : memref<128x128xf32, #tpu.memory_space<vmem_shared>>) target_semaphore(%run_scoped3A : memref<!tpu.dma_semaphore, #tpu.memory_space<semaphore_mem>>)
      %dma_wait3A = arith.constant 0 : i32
      %dma_wait3A_114 = tpu.memref_slice %arg9[%add3A_44, %dma_wait3A] : memref<10112x128xf32, #tpu.memory_space<vmem_shared>> -> memref<128x128xf32, #tpu.memory_space<vmem_shared>>
      %dma_wait3A_115 = arith.constant 0 : i32
      %dma_wait3A_116 = tpu.memref_slice %arg9[%add3A_44, %dma_wait3A_115] : memref<10112x128xf32, #tpu.memory_space<vmem_shared>> -> memref<128x128xf32, #tpu.memory_space<vmem_shared>>
      tpu.wait_dma2 semaphore(%run_scoped3A : memref<!tpu.dma_semaphore, #tpu.memory_space<semaphore_mem>>) src(%arg13 : memref<128x128xf32, #tpu.memory_space<vmem>>) dst(%dma_wait3A_116 : memref<128x128xf32, #tpu.memory_space<vmem_shared>>)
      tpu.yield
    }) : () -> ()
    %add3A_45 = arith.constant 128 : i32
    %add3A_46 = arith.addi %mul3A_38, %add3A_45 : i32
    "tpu.region"() ({
      %run_scoped3A = tpu.sem_alloc : memref<!tpu.dma_semaphore, #tpu.memory_space<semaphore_mem>>
      %dma_start3A = tpu.memref_slice %arg10[%add3A_46] : memref<10112xf32, #tpu.memory_space<vmem_shared>> -> memref<128xf32, #tpu.memory_space<vmem_shared>>
      %dma_start3A_111 = tpu.memref_slice %arg10[%add3A_46] : memref<10112xf32, #tpu.memory_space<vmem_shared>> -> memref<128xf32, #tpu.memory_space<vmem_shared>>
      tpu.enqueue_dma source(%arg14 : memref<128xf32, #tpu.memory_space<vmem>>) target(%dma_start3A_111 : memref<128xf32, #tpu.memory_space<vmem_shared>>) target_semaphore(%run_scoped3A : memref<!tpu.dma_semaphore, #tpu.memory_space<semaphore_mem>>)
      %dma_wait3A = tpu.memref_slice %arg10[%add3A_46] : memref<10112xf32, #tpu.memory_space<vmem_shared>> -> memref<128xf32, #tpu.memory_space<vmem_shared>>
      %dma_wait3A_112 = tpu.memref_slice %arg10[%add3A_46] : memref<10112xf32, #tpu.memory_space<vmem_shared>> -> memref<128xf32, #tpu.memory_space<vmem_shared>>
      tpu.wait_dma2 semaphore(%run_scoped3A : memref<!tpu.dma_semaphore, #tpu.memory_space<semaphore_mem>>) src(%arg14 : memref<128xf32, #tpu.memory_space<vmem>>) dst(%dma_wait3A_112 : memref<128xf32, #tpu.memory_space<vmem_shared>>)
      tpu.yield
    }) : () -> ()
    %add3A_47 = arith.constant 256 : i32
    %add3A_48 = arith.addi %mul3A_38, %add3A_47 : i32
    "tpu.region"() ({
      %run_scoped3A = tpu.sem_alloc : memref<!tpu.dma_semaphore, #tpu.memory_space<semaphore_mem>>
      %dma_start3A = arith.constant 0 : i32
      %dma_start3A_111 = tpu.memref_slice %arg9[%add3A_48, %dma_start3A] : memref<10112x128xf32, #tpu.memory_space<vmem_shared>> -> memref<128x128xf32, #tpu.memory_space<vmem_shared>>
      %dma_start3A_112 = arith.constant 0 : i32
      %dma_start3A_113 = tpu.memref_slice %arg9[%add3A_48, %dma_start3A_112] : memref<10112x128xf32, #tpu.memory_space<vmem_shared>> -> memref<128x128xf32, #tpu.memory_space<vmem_shared>>
      tpu.enqueue_dma source(%arg13 : memref<128x128xf32, #tpu.memory_space<vmem>>) target(%dma_start3A_113 : memref<128x128xf32, #tpu.memory_space<vmem_shared>>) target_semaphore(%run_scoped3A : memref<!tpu.dma_semaphore, #tpu.memory_space<semaphore_mem>>)
      %dma_wait3A = arith.constant 0 : i32
      %dma_wait3A_114 = tpu.memref_slice %arg9[%add3A_48, %dma_wait3A] : memref<10112x128xf32, #tpu.memory_space<vmem_shared>> -> memref<128x128xf32, #tpu.memory_space<vmem_shared>>
      %dma_wait3A_115 = arith.constant 0 : i32
      %dma_wait3A_116 = tpu.memref_slice %arg9[%add3A_48, %dma_wait3A_115] : memref<10112x128xf32, #tpu.memory_space<vmem_shared>> -> memref<128x128xf32, #tpu.memory_space<vmem_shared>>
      tpu.wait_dma2 semaphore(%run_scoped3A : memref<!tpu.dma_semaphore, #tpu.memory_space<semaphore_mem>>) src(%arg13 : memref<128x128xf32, #tpu.memory_space<vmem>>) dst(%dma_wait3A_116 : memref<128x128xf32, #tpu.memory_space<vmem_shared>>)
      tpu.yield
    }) : () -> ()
    %add3A_49 = arith.constant 256 : i32
    %add3A_50 = arith.addi %mul3A_38, %add3A_49 : i32
    "tpu.region"() ({
      %run_scoped3A = tpu.sem_alloc : memref<!tpu.dma_semaphore, #tpu.memory_space<semaphore_mem>>
      %dma_start3A = tpu.memref_slice %arg10[%add3A_50] : memref<10112xf32, #tpu.memory_space<vmem_shared>> -> memref<128xf32, #tpu.memory_space<vmem_shared>>
      %dma_start3A_111 = tpu.memref_slice %arg10[%add3A_50] : memref<10112xf32, #tpu.memory_space<vmem_shared>> -> memref<128xf32, #tpu.memory_space<vmem_shared>>
      tpu.enqueue_dma source(%arg14 : memref<128xf32, #tpu.memory_space<vmem>>) target(%dma_start3A_111 : memref<128xf32, #tpu.memory_space<vmem_shared>>) target_semaphore(%run_scoped3A : memref<!tpu.dma_semaphore, #tpu.memory_space<semaphore_mem>>)
      %dma_wait3A = tpu.memref_slice %arg10[%add3A_50] : memref<10112xf32, #tpu.memory_space<vmem_shared>> -> memref<128xf32, #tpu.memory_space<vmem_shared>>
      %dma_wait3A_112 = tpu.memref_slice %arg10[%add3A_50] : memref<10112xf32, #tpu.memory_space<vmem_shared>> -> memref<128xf32, #tpu.memory_space<vmem_shared>>
      tpu.wait_dma2 semaphore(%run_scoped3A : memref<!tpu.dma_semaphore, #tpu.memory_space<semaphore_mem>>) src(%arg14 : memref<128xf32, #tpu.memory_space<vmem>>) dst(%dma_wait3A_112 : memref<128xf32, #tpu.memory_space<vmem_shared>>)
      tpu.yield
    }) : () -> ()
    %add3A_51 = arith.constant 384 : i32
    %add3A_52 = arith.addi %mul3A_38, %add3A_51 : i32
    "tpu.region"() ({
      %run_scoped3A = tpu.sem_alloc : memref<!tpu.dma_semaphore, #tpu.memory_space<semaphore_mem>>
      %dma_start3A = arith.constant 0 : i32
      %dma_start3A_111 = tpu.memref_slice %arg9[%add3A_52, %dma_start3A] : memref<10112x128xf32, #tpu.memory_space<vmem_shared>> -> memref<128x128xf32, #tpu.memory_space<vmem_shared>>
      %dma_start3A_112 = arith.constant 0 : i32
      %dma_start3A_113 = tpu.memref_slice %arg9[%add3A_52, %dma_start3A_112] : memref<10112x128xf32, #tpu.memory_space<vmem_shared>> -> memref<128x128xf32, #tpu.memory_space<vmem_shared>>
      tpu.enqueue_dma source(%arg13 : memref<128x128xf32, #tpu.memory_space<vmem>>) target(%dma_start3A_113 : memref<128x128xf32, #tpu.memory_space<vmem_shared>>) target_semaphore(%run_scoped3A : memref<!tpu.dma_semaphore, #tpu.memory_space<semaphore_mem>>)
      %dma_wait3A = arith.constant 0 : i32
      %dma_wait3A_114 = tpu.memref_slice %arg9[%add3A_52, %dma_wait3A] : memref<10112x128xf32, #tpu.memory_space<vmem_shared>> -> memref<128x128xf32, #tpu.memory_space<vmem_shared>>
      %dma_wait3A_115 = arith.constant 0 : i32
      %dma_wait3A_116 = tpu.memref_slice %arg9[%add3A_52, %dma_wait3A_115] : memref<10112x128xf32, #tpu.memory_space<vmem_shared>> -> memref<128x128xf32, #tpu.memory_space<vmem_shared>>
      tpu.wait_dma2 semaphore(%run_scoped3A : memref<!tpu.dma_semaphore, #tpu.memory_space<semaphore_mem>>) src(%arg13 : memref<128x128xf32, #tpu.memory_space<vmem>>) dst(%dma_wait3A_116 : memref<128x128xf32, #tpu.memory_space<vmem_shared>>)
      tpu.yield
    }) : () -> ()
    %add3A_53 = arith.constant 384 : i32
    %add3A_54 = arith.addi %mul3A_38, %add3A_53 : i32
    "tpu.region"() ({
      %run_scoped3A = tpu.sem_alloc : memref<!tpu.dma_semaphore, #tpu.memory_space<semaphore_mem>>
      %dma_start3A = tpu.memref_slice %arg10[%add3A_54] : memref<10112xf32, #tpu.memory_space<vmem_shared>> -> memref<128xf32, #tpu.memory_space<vmem_shared>>
      %dma_start3A_111 = tpu.memref_slice %arg10[%add3A_54] : memref<10112xf32, #tpu.memory_space<vmem_shared>> -> memref<128xf32, #tpu.memory_space<vmem_shared>>
      tpu.enqueue_dma source(%arg14 : memref<128xf32, #tpu.memory_space<vmem>>) target(%dma_start3A_111 : memref<128xf32, #tpu.memory_space<vmem_shared>>) target_semaphore(%run_scoped3A : memref<!tpu.dma_semaphore, #tpu.memory_space<semaphore_mem>>)
      %dma_wait3A = tpu.memref_slice %arg10[%add3A_54] : memref<10112xf32, #tpu.memory_space<vmem_shared>> -> memref<128xf32, #tpu.memory_space<vmem_shared>>
      %dma_wait3A_112 = tpu.memref_slice %arg10[%add3A_54] : memref<10112xf32, #tpu.memory_space<vmem_shared>> -> memref<128xf32, #tpu.memory_space<vmem_shared>>
      tpu.wait_dma2 semaphore(%run_scoped3A : memref<!tpu.dma_semaphore, #tpu.memory_space<semaphore_mem>>) src(%arg14 : memref<128xf32, #tpu.memory_space<vmem>>) dst(%dma_wait3A_112 : memref<128xf32, #tpu.memory_space<vmem_shared>>)
      tpu.yield
    }) : () -> ()
    %add3A_55 = arith.constant 512 : i32
    %add3A_56 = arith.addi %mul3A_38, %add3A_55 : i32
    "tpu.region"() ({
      %run_scoped3A = tpu.sem_alloc : memref<!tpu.dma_semaphore, #tpu.memory_space<semaphore_mem>>
      %dma_start3A = arith.constant 0 : i32
      %dma_start3A_111 = arith.constant 0 : i32
      %dma_start3A_112 = tpu.memref_slice %arg13[%dma_start3A, %dma_start3A_111] : memref<128x128xf32, #tpu.memory_space<vmem>> -> memref<120x128xf32, #tpu.memory_space<vmem>>
      %dma_start3A_113 = arith.constant 0 : i32
      %dma_start3A_114 = tpu.memref_slice %arg9[%add3A_56, %dma_start3A_113] : memref<10112x128xf32, #tpu.memory_space<vmem_shared>> -> memref<120x128xf32, #tpu.memory_space<vmem_shared>>
      %dma_start3A_115 = arith.constant 0 : i32
      %dma_start3A_116 = tpu.memref_slice %arg9[%add3A_56, %dma_start3A_115] : memref<10112x128xf32, #tpu.memory_space<vmem_shared>> -> memref<120x128xf32, #tpu.memory_space<vmem_shared>>
      %dma_start3A_117 = arith.constant 0 : i32
      %dma_start3A_118 = arith.constant 0 : i32
      %dma_start3A_119 = tpu.memref_slice %arg13[%dma_start3A_117, %dma_start3A_118] : memref<128x128xf32, #tpu.memory_space<vmem>> -> memref<120x128xf32, #tpu.memory_space<vmem>>
      tpu.enqueue_dma source(%dma_start3A_119 : memref<120x128xf32, #tpu.memory_space<vmem>>) target(%dma_start3A_116 : memref<120x128xf32, #tpu.memory_space<vmem_shared>>) target_semaphore(%run_scoped3A : memref<!tpu.dma_semaphore, #tpu.memory_space<semaphore_mem>>)
      %dma_wait3A = arith.constant 0 : i32
      %dma_wait3A_120 = arith.constant 0 : i32
      %dma_wait3A_121 = tpu.memref_slice %arg13[%dma_wait3A, %dma_wait3A_120] : memref<128x128xf32, #tpu.memory_space<vmem>> -> memref<120x128xf32, #tpu.memory_space<vmem>>
      %dma_wait3A_122 = arith.constant 0 : i32
      %dma_wait3A_123 = tpu.memref_slice %arg9[%add3A_56, %dma_wait3A_122] : memref<10112x128xf32, #tpu.memory_space<vmem_shared>> -> memref<120x128xf32, #tpu.memory_space<vmem_shared>>
      %dma_wait3A_124 = arith.constant 0 : i32
      %dma_wait3A_125 = tpu.memref_slice %arg9[%add3A_56, %dma_wait3A_124] : memref<10112x128xf32, #tpu.memory_space<vmem_shared>> -> memref<120x128xf32, #tpu.memory_space<vmem_shared>>
      %dma_wait3A_126 = arith.constant 0 : i32
      %dma_wait3A_127 = arith.constant 0 : i32
      %dma_wait3A_128 = tpu.memref_slice %arg13[%dma_wait3A_126, %dma_wait3A_127] : memref<128x128xf32, #tpu.memory_space<vmem>> -> memref<120x128xf32, #tpu.memory_space<vmem>>
      tpu.wait_dma2 semaphore(%run_scoped3A : memref<!tpu.dma_semaphore, #tpu.memory_space<semaphore_mem>>) src(%dma_wait3A_128 : memref<120x128xf32, #tpu.memory_space<vmem>>) dst(%dma_wait3A_125 : memref<120x128xf32, #tpu.memory_space<vmem_shared>>)
      tpu.yield
    }) : () -> ()
    %add3A_57 = arith.constant 512 : i32
    %add3A_58 = arith.addi %mul3A_38, %add3A_57 : i32
    "tpu.region"() ({
      %run_scoped3A = tpu.sem_alloc : memref<!tpu.dma_semaphore, #tpu.memory_space<semaphore_mem>>
      %dma_start3A = arith.constant 0 : i32
      %dma_start3A_111 = tpu.memref_slice %arg14[%dma_start3A] : memref<128xf32, #tpu.memory_space<vmem>> -> memref<120xf32, #tpu.memory_space<vmem>>
      %dma_start3A_112 = tpu.memref_slice %arg10[%add3A_58] : memref<10112xf32, #tpu.memory_space<vmem_shared>> -> memref<120xf32, #tpu.memory_space<vmem_shared>>
      %dma_start3A_113 = tpu.memref_slice %arg10[%add3A_58] : memref<10112xf32, #tpu.memory_space<vmem_shared>> -> memref<120xf32, #tpu.memory_space<vmem_shared>>
      %dma_start3A_114 = arith.constant 0 : i32
      %dma_start3A_115 = tpu.memref_slice %arg14[%dma_start3A_114] : memref<128xf32, #tpu.memory_space<vmem>> -> memref<120xf32, #tpu.memory_space<vmem>>
      tpu.enqueue_dma source(%dma_start3A_115 : memref<120xf32, #tpu.memory_space<vmem>>) target(%dma_start3A_113 : memref<120xf32, #tpu.memory_space<vmem_shared>>) target_semaphore(%run_scoped3A : memref<!tpu.dma_semaphore, #tpu.memory_space<semaphore_mem>>)
      %dma_wait3A = arith.constant 0 : i32
      %dma_wait3A_116 = tpu.memref_slice %arg14[%dma_wait3A] : memref<128xf32, #tpu.memory_space<vmem>> -> memref<120xf32, #tpu.memory_space<vmem>>
      %dma_wait3A_117 = tpu.memref_slice %arg10[%add3A_58] : memref<10112xf32, #tpu.memory_space<vmem_shared>> -> memref<120xf32, #tpu.memory_space<vmem_shared>>
      %dma_wait3A_118 = tpu.memref_slice %arg10[%add3A_58] : memref<10112xf32, #tpu.memory_space<vmem_shared>> -> memref<120xf32, #tpu.memory_space<vmem_shared>>
      %dma_wait3A_119 = arith.constant 0 : i32
      %dma_wait3A_120 = tpu.memref_slice %arg14[%dma_wait3A_119] : memref<128xf32, #tpu.memory_space<vmem>> -> memref<120xf32, #tpu.memory_space<vmem>>
      tpu.wait_dma2 semaphore(%run_scoped3A : memref<!tpu.dma_semaphore, #tpu.memory_space<semaphore_mem>>) src(%dma_wait3A_120 : memref<120xf32, #tpu.memory_space<vmem>>) dst(%dma_wait3A_118 : memref<120xf32, #tpu.memory_space<vmem_shared>>)
      tpu.yield
    }) : () -> ()
    %broadcast_in_dim3A_59 = arith.constant 1.000000e+00 : f32
    %broadcast_in_dim3A_60 = vector.broadcast %broadcast_in_dim3A_59 : f32 to vector<16xf32>
    %swap3A_61 = arith.constant 0 : index
    %swap3A_62 = tpu.vector_load %arg14[%swap3A_61] {strides = array<i32>} : memref<128xf32, #tpu.memory_space<vmem>>, vector<16xf32>,
    %swap3A_63 = vector.shape_cast %swap3A_62 : vector<16xf32> to vector<16xf32>
    %swap3A_64 = vector.shape_cast %broadcast_in_dim3A_60 : vector<16xf32> to vector<16xf32>
    tpu.vector_store %arg14[%swap3A_61], %swap3A_64 {strides = array<i32>} : memref<128xf32, #tpu.memory_space<vmem>>, vector<16xf32>,
    %swap3A_65 = arith.constant 16 : index
    %swap3A_66 = tpu.vector_load %arg14[%swap3A_65] {strides = array<i32>} : memref<128xf32, #tpu.memory_space<vmem>>, vector<16xf32>,
    %swap3A_67 = vector.shape_cast %swap3A_66 : vector<16xf32> to vector<16xf32>
    %swap3A_68 = vector.shape_cast %broadcast_in_dim3A_60 : vector<16xf32> to vector<16xf32>
    tpu.vector_store %arg14[%swap3A_65], %swap3A_68 {strides = array<i32>} : memref<128xf32, #tpu.memory_space<vmem>>, vector<16xf32>,
    %swap3A_69 = arith.constant 32 : index
    %swap3A_70 = tpu.vector_load %arg14[%swap3A_69] {strides = array<i32>} : memref<128xf32, #tpu.memory_space<vmem>>, vector<16xf32>,
    %swap3A_71 = vector.shape_cast %swap3A_70 : vector<16xf32> to vector<16xf32>
    %swap3A_72 = vector.shape_cast %broadcast_in_dim3A_60 : vector<16xf32> to vector<16xf32>
    tpu.vector_store %arg14[%swap3A_69], %swap3A_72 {strides = array<i32>} : memref<128xf32, #tpu.memory_space<vmem>>, vector<16xf32>,
    %swap3A_73 = arith.constant 48 : index
    %swap3A_74 = tpu.vector_load %arg14[%swap3A_73] {strides = array<i32>} : memref<128xf32, #tpu.memory_space<vmem>>, vector<16xf32>,
    %swap3A_75 = vector.shape_cast %swap3A_74 : vector<16xf32> to vector<16xf32>
    %swap3A_76 = vector.shape_cast %broadcast_in_dim3A_60 : vector<16xf32> to vector<16xf32>
    tpu.vector_store %arg14[%swap3A_73], %swap3A_76 {strides = array<i32>} : memref<128xf32, #tpu.memory_space<vmem>>, vector<16xf32>,
    %swap3A_77 = arith.constant 64 : index
    %swap3A_78 = tpu.vector_load %arg14[%swap3A_77] {strides = array<i32>} : memref<128xf32, #tpu.memory_space<vmem>>, vector<16xf32>,
    %swap3A_79 = vector.shape_cast %swap3A_78 : vector<16xf32> to vector<16xf32>
    %swap3A_80 = vector.shape_cast %broadcast_in_dim3A_60 : vector<16xf32> to vector<16xf32>
    tpu.vector_store %arg14[%swap3A_77], %swap3A_80 {strides = array<i32>} : memref<128xf32, #tpu.memory_space<vmem>>, vector<16xf32>,
    %swap3A_81 = arith.constant 80 : index
    %swap3A_82 = tpu.vector_load %arg14[%swap3A_81] {strides = array<i32>} : memref<128xf32, #tpu.memory_space<vmem>>, vector<16xf32>,
    %swap3A_83 = vector.shape_cast %swap3A_82 : vector<16xf32> to vector<16xf32>
    %swap3A_84 = vector.shape_cast %broadcast_in_dim3A_60 : vector<16xf32> to vector<16xf32>
    tpu.vector_store %arg14[%swap3A_81], %swap3A_84 {strides = array<i32>} : memref<128xf32, #tpu.memory_space<vmem>>, vector<16xf32>,
    %swap3A_85 = arith.constant 96 : index
    %swap3A_86 = tpu.vector_load %arg14[%swap3A_85] {strides = array<i32>} : memref<128xf32, #tpu.memory_space<vmem>>, vector<16xf32>,
    %swap3A_87 = vector.shape_cast %swap3A_86 : vector<16xf32> to vector<16xf32>
    %swap3A_88 = vector.shape_cast %broadcast_in_dim3A_60 : vector<16xf32> to vector<16xf32>
    tpu.vector_store %arg14[%swap3A_85], %swap3A_88 {strides = array<i32>} : memref<128xf32, #tpu.memory_space<vmem>>, vector<16xf32>,
    %swap3A_89 = arith.constant 112 : index
    %swap3A_90 = tpu.vector_load %arg14[%swap3A_89] {strides = array<i32>} : memref<128xf32, #tpu.memory_space<vmem>>, vector<16xf32>,
    %swap3A_91 = vector.shape_cast %swap3A_90 : vector<16xf32> to vector<16xf32>
    %swap3A_92 = vector.shape_cast %broadcast_in_dim3A_60 : vector<16xf32> to vector<16xf32>
    tpu.vector_store %arg14[%swap3A_89], %swap3A_92 {strides = array<i32>} : memref<128xf32, #tpu.memory_space<vmem>>, vector<16xf32>,
    %barrier3A = arith.constant 0 : index
    tpu.barrier barrier_id(%barrier3A)
    %mul3A_93 = arith.constant 10112 : i32
    %mul3A_94 = arith.muli %add3A, %mul3A_93 : i32
    %scan3A_95 = arith.constant 0 : i32
    %scan3A_96 = arith.constant 79 : i32
    %scan3A_97 = arith.addi %scan3A_95, %scan3A_96 : i32
    %scan3A_98 = arith.constant 1 : i32
    scf.for %scan3A_111 = %scan3A_95 to %scan3A_97 step %scan3A_98  : i32 {
      %mul3A_112 = arith.constant 1 : i32
      %mul3A_113 = arith.muli %scan3A_111, %mul3A_112 : i32
      %add3A_114 = arith.constant 0 : i32
      %add3A_115 = arith.addi %add3A_114, %mul3A_113 : i32
      %mul3A_116 = arith.constant 128 : i32
      %mul3A_117 = arith.muli %add3A_115, %mul3A_116 : i32
      %add3A_118 = arith.addi %mul3A_94, %mul3A_117 : i32
      "tpu.region"() ({
        %run_scoped3A = tpu.sem_alloc : memref<!tpu.dma_semaphore, #tpu.memory_space<semaphore_mem>>
        %dma_start3A_123 = tpu.memref_slice %arg2[%add3A_118] : memref<323584xi32, #tpu.memory_space<hbm>> -> memref<128xi32, #tpu.memory_space<hbm>>
        %dma_start3A_124 = tpu.memref_slice %arg2[%add3A_118] : memref<323584xi32, #tpu.memory_space<hbm>> -> memref<128xi32, #tpu.memory_space<hbm>>
        tpu.enqueue_dma source(%dma_start3A_124 : memref<128xi32, #tpu.memory_space<hbm>>) target(%arg11 : memref<128xi32, #tpu.memory_space<vmem>>) target_semaphore(%run_scoped3A : memref<!tpu.dma_semaphore, #tpu.memory_space<semaphore_mem>>)
        %dma_wait3A_125 = tpu.memref_slice %arg2[%add3A_118] : memref<323584xi32, #tpu.memory_space<hbm>> -> memref<128xi32, #tpu.memory_space<hbm>>
        %dma_wait3A_126 = tpu.memref_slice %arg2[%add3A_118] : memref<323584xi32, #tpu.memory_space<hbm>> -> memref<128xi32, #tpu.memory_space<hbm>>
        tpu.wait_dma2 semaphore(%run_scoped3A : memref<!tpu.dma_semaphore, #tpu.memory_space<semaphore_mem>>) src(%dma_wait3A_126 : memref<128xi32, #tpu.memory_space<hbm>>) dst(%arg11 : memref<128xi32, #tpu.memory_space<vmem>>)
        tpu.yield
      }) : () -> ()
      "tpu.region"() ({
        %run_scoped3A = tpu.sem_alloc : memref<!tpu.dma_semaphore, #tpu.memory_space<semaphore_mem>>
        %dma_start3A_123 = tpu.memref_slice %arg3[%add3A_118] : memref<323584xi32, #tpu.memory_space<hbm>> -> memref<128xi32, #tpu.memory_space<hbm>>
        %dma_start3A_124 = tpu.memref_slice %arg3[%add3A_118] : memref<323584xi32, #tpu.memory_space<hbm>> -> memref<128xi32, #tpu.memory_space<hbm>>
        tpu.enqueue_dma source(%dma_start3A_124 : memref<128xi32, #tpu.memory_space<hbm>>) target(%arg12 : memref<128xi32, #tpu.memory_space<vmem>>) target_semaphore(%run_scoped3A : memref<!tpu.dma_semaphore, #tpu.memory_space<semaphore_mem>>)
        %dma_wait3A_125 = tpu.memref_slice %arg3[%add3A_118] : memref<323584xi32, #tpu.memory_space<hbm>> -> memref<128xi32, #tpu.memory_space<hbm>>
        %dma_wait3A_126 = tpu.memref_slice %arg3[%add3A_118] : memref<323584xi32, #tpu.memory_space<hbm>> -> memref<128xi32, #tpu.memory_space<hbm>>
        tpu.wait_dma2 semaphore(%run_scoped3A : memref<!tpu.dma_semaphore, #tpu.memory_space<semaphore_mem>>) src(%dma_wait3A_126 : memref<128xi32, #tpu.memory_space<hbm>>) dst(%arg12 : memref<128xi32, #tpu.memory_space<vmem>>)
        tpu.yield
      }) : () -> ()
      %dma_start3A = arith.constant 0 : i32
      %dma_start3A_119 = arith.constant 0 : i32
      %dma_start3A_120 = tpu.memref_slice %arg4[%dma_start3A, %dma_start3A_119] : memref<10000x128xf32, #tpu.memory_space<hbm>> -> memref<10000x128xf32, #tpu.memory_space<hbm>>
      tpu.enqueue_indirect_dma source(%dma_start3A_120 : memref<10000x128xf32, #tpu.memory_space<hbm>>) target(%arg13 : memref<128x128xf32, #tpu.memory_space<vmem>>) offsets(%arg11 : memref<128xi32, #tpu.memory_space<vmem>>) semaphore(%arg15 : memref<!tpu.dma_semaphore, #tpu.memory_space<semaphore_mem>>)
      %dma_wait3A = arith.constant 0 : i32
      %dma_wait3A_121 = arith.constant 0 : i32
      %dma_wait3A_122 = tpu.memref_slice %arg4[%dma_wait3A, %dma_wait3A_121] : memref<10000x128xf32, #tpu.memory_space<hbm>> -> memref<10000x128xf32, #tpu.memory_space<hbm>>
      tpu.wait_indirect_dma semaphore(%arg15 : memref<!tpu.dma_semaphore, #tpu.memory_space<semaphore_mem>>) src(%dma_wait3A_122 : memref<10000x128xf32, #tpu.memory_space<hbm>>) dst(%arg13 : memref<128x128xf32, #tpu.memory_space<vmem>>)
      "tpu.region"() ({
        %run_scoped3A = tpu.sem_alloc : memref<!tpu.dma_semaphore, #tpu.memory_space<semaphore_mem>>
        %dma_start3A_123 = arith.constant 0 : i32
        %dma_start3A_124 = arith.constant 0 : i32
        %dma_start3A_125 = tpu.memref_slice %arg9[%dma_start3A_123, %dma_start3A_124] : memref<10112x128xf32, #tpu.memory_space<vmem_shared>> -> memref<10112x128xf32, #tpu.memory_space<vmem_shared>>
        tpu.enqueue_indirect_dma source(%arg13 : memref<128x128xf32, #tpu.memory_space<vmem>>) target(%dma_start3A_125 : memref<10112x128xf32, #tpu.memory_space<vmem_shared>>) offsets(%arg12 : memref<128xi32, #tpu.memory_space<vmem>>) semaphore(%run_scoped3A : memref<!tpu.dma_semaphore, #tpu.memory_space<semaphore_mem>>) {add = true}
        %dma_wait3A_126 = arith.constant 0 : i32
        %dma_wait3A_127 = arith.constant 0 : i32
        %dma_wait3A_128 = tpu.memref_slice %arg9[%dma_wait3A_126, %dma_wait3A_127] : memref<10112x128xf32, #tpu.memory_space<vmem_shared>> -> memref<10112x128xf32, #tpu.memory_space<vmem_shared>>
        tpu.wait_indirect_dma semaphore(%run_scoped3A : memref<!tpu.dma_semaphore, #tpu.memory_space<semaphore_mem>>) src(%arg13 : memref<128x128xf32, #tpu.memory_space<vmem>>) dst(%dma_wait3A_128 : memref<10112x128xf32, #tpu.memory_space<vmem_shared>>)
        tpu.yield
      }) : () -> ()
      "tpu.region"() ({
        %run_scoped3A = tpu.sem_alloc : memref<!tpu.dma_semaphore, #tpu.memory_space<semaphore_mem>>
        %dma_start3A_123 = arith.constant 0 : i32
        %dma_start3A_124 = tpu.memref_slice %arg10[%dma_start3A_123] : memref<10112xf32, #tpu.memory_space<vmem_shared>> -> memref<10112xf32, #tpu.memory_space<vmem_shared>>
        tpu.enqueue_indirect_dma source(%arg14 : memref<128xf32, #tpu.memory_space<vmem>>) target(%dma_start3A_124 : memref<10112xf32, #tpu.memory_space<vmem_shared>>) offsets(%arg12 : memref<128xi32, #tpu.memory_space<vmem>>) semaphore(%run_scoped3A : memref<!tpu.dma_semaphore, #tpu.memory_space<semaphore_mem>>) {add = true}
        %dma_wait3A_125 = arith.constant 0 : i32
        %dma_wait3A_126 = tpu.memref_slice %arg10[%dma_wait3A_125] : memref<10112xf32, #tpu.memory_space<vmem_shared>> -> memref<10112xf32, #tpu.memory_space<vmem_shared>>
        tpu.wait_indirect_dma semaphore(%run_scoped3A : memref<!tpu.dma_semaphore, #tpu.memory_space<semaphore_mem>>) src(%arg14 : memref<128xf32, #tpu.memory_space<vmem>>) dst(%dma_wait3A_126 : memref<10112xf32, #tpu.memory_space<vmem_shared>>)
        tpu.yield
      }) : () -> ()
    }
    %scan3A_99 = arith.constant 79 : i32
    %barrier3A_100 = arith.constant 0 : index
    tpu.barrier barrier_id(%barrier3A_100)
    %scan3A_101 = arith.constant 0 : i32
    %scan3A_102 = arith.constant 4 : i32
    %scan3A_103 = arith.addi %scan3A_101, %scan3A_102 : i32
    %scan3A_104 = arith.constant 1 : i32
    scf.for %scan3A_111 = %scan3A_101 to %scan3A_103 step %scan3A_104  : i32 {
      %mul3A_112 = arith.constant 1 : i32
      %mul3A_113 = arith.muli %scan3A_111, %mul3A_112 : i32
      %add3A_114 = arith.constant 0 : i32
      %add3A_115 = arith.addi %add3A_114, %mul3A_113 : i32
      %mul3A_116 = arith.constant 512 : i32
      %mul3A_117 = arith.muli %arg1, %mul3A_116 : i32
      %mul3A_118 = arith.constant 128 : i32
      %mul3A_119 = arith.muli %add3A_115, %mul3A_118 : i32
      %add3A_120 = arith.addi %mul3A_117, %mul3A_119 : i32
      "tpu.region"() ({
        %run_scoped3A = tpu.sem_alloc : memref<!tpu.dma_semaphore, #tpu.memory_space<semaphore_mem>>
        %dma_start3A_129 = tpu.memref_slice %arg5[%add3A_120] : memref<8192xi32, #tpu.memory_space<hbm>> -> memref<128xi32, #tpu.memory_space<hbm>>
        %dma_start3A_130 = tpu.memref_slice %arg5[%add3A_120] : memref<8192xi32, #tpu.memory_space<hbm>> -> memref<128xi32, #tpu.memory_space<hbm>>
        tpu.enqueue_dma source(%dma_start3A_130 : memref<128xi32, #tpu.memory_space<hbm>>) target(%arg12 : memref<128xi32, #tpu.memory_space<vmem>>) target_semaphore(%run_scoped3A : memref<!tpu.dma_semaphore, #tpu.memory_space<semaphore_mem>>)
        %dma_wait3A_131 = tpu.memref_slice %arg5[%add3A_120] : memref<8192xi32, #tpu.memory_space<hbm>> -> memref<128xi32, #tpu.memory_space<hbm>>
        %dma_wait3A_132 = tpu.memref_slice %arg5[%add3A_120] : memref<8192xi32, #tpu.memory_space<hbm>> -> memref<128xi32, #tpu.memory_space<hbm>>
        tpu.wait_dma2 semaphore(%run_scoped3A : memref<!tpu.dma_semaphore, #tpu.memory_space<semaphore_mem>>) src(%dma_wait3A_132 : memref<128xi32, #tpu.memory_space<hbm>>) dst(%arg12 : memref<128xi32, #tpu.memory_space<vmem>>)
        tpu.yield
      }) : () -> ()
      %dma_start3A = arith.constant 0 : i32
      %dma_start3A_121 = arith.constant 0 : i32
      %dma_start3A_122 = tpu.memref_slice %arg9[%dma_start3A, %dma_start3A_121] : memref<10112x128xf32, #tpu.memory_space<vmem_shared>> -> memref<10112x128xf32, #tpu.memory_space<vmem_shared>>
      tpu.enqueue_indirect_dma source(%dma_start3A_122 : memref<10112x128xf32, #tpu.memory_space<vmem_shared>>) target(%arg13 : memref<128x128xf32, #tpu.memory_space<vmem>>) offsets(%arg12 : memref<128xi32, #tpu.memory_space<vmem>>) semaphore(%arg15 : memref<!tpu.dma_semaphore, #tpu.memory_space<semaphore_mem>>)
      %dma_wait3A = arith.constant 0 : i32
      %dma_wait3A_123 = arith.constant 0 : i32
      %dma_wait3A_124 = tpu.memref_slice %arg9[%dma_wait3A, %dma_wait3A_123] : memref<10112x128xf32, #tpu.memory_space<vmem_shared>> -> memref<10112x128xf32, #tpu.memory_space<vmem_shared>>
      tpu.wait_indirect_dma semaphore(%arg15 : memref<!tpu.dma_semaphore, #tpu.memory_space<semaphore_mem>>) src(%dma_wait3A_124 : memref<10112x128xf32, #tpu.memory_space<vmem_shared>>) dst(%arg13 : memref<128x128xf32, #tpu.memory_space<vmem>>)
      "tpu.region"() ({
        %run_scoped3A = tpu.sem_alloc : memref<!tpu.dma_semaphore, #tpu.memory_space<semaphore_mem>>
        %dma_start3A_129 = arith.constant 0 : i32
        %dma_start3A_130 = tpu.memref_slice %arg6[%arg0, %add3A_120, %dma_start3A_129] : memref<2x8192x128xf32, #tpu.memory_space<hbm>> -> memref<1x128x128xf32, #tpu.memory_space<hbm>>
        %dma_start3A_131 = tpu.memref_squeeze %dma_start3A_130 : memref<1x128x128xf32, #tpu.memory_space<hbm>> -> memref<128x128xf32, #tpu.memory_space<hbm>>
        %dma_start3A_132 = arith.constant 0 : i32
        %dma_start3A_133 = tpu.memref_slice %arg6[%arg0, %add3A_120, %dma_start3A_132] : memref<2x8192x128xf32, #tpu.memory_space<hbm>> -> memref<1x128x128xf32, #tpu.memory_space<hbm>>
        %dma_start3A_134 = tpu.memref_squeeze %dma_start3A_133 : memref<1x128x128xf32, #tpu.memory_space<hbm>> -> memref<128x128xf32, #tpu.memory_space<hbm>>
        tpu.enqueue_dma source(%arg13 : memref<128x128xf32, #tpu.memory_space<vmem>>) target(%dma_start3A_134 : memref<128x128xf32, #tpu.memory_space<hbm>>) target_semaphore(%run_scoped3A : memref<!tpu.dma_semaphore, #tpu.memory_space<semaphore_mem>>)
        %dma_wait3A_135 = arith.constant 0 : i32
        %dma_wait3A_136 = tpu.memref_slice %arg6[%arg0, %add3A_120, %dma_wait3A_135] : memref<2x8192x128xf32, #tpu.memory_space<hbm>> -> memref<1x128x128xf32, #tpu.memory_space<hbm>>
        %dma_wait3A_137 = tpu.memref_squeeze %dma_wait3A_136 : memref<1x128x128xf32, #tpu.memory_space<hbm>> -> memref<128x128xf32, #tpu.memory_space<hbm>>
        %dma_wait3A_138 = arith.constant 0 : i32
        %dma_wait3A_139 = tpu.memref_slice %arg6[%arg0, %add3A_120, %dma_wait3A_138] : memref<2x8192x128xf32, #tpu.memory_space<hbm>> -> memref<1x128x128xf32, #tpu.memory_space<hbm>>
        %dma_wait3A_140 = tpu.memref_squeeze %dma_wait3A_139 : memref<1x128x128xf32, #tpu.memory_space<hbm>> -> memref<128x128xf32, #tpu.memory_space<hbm>>
        tpu.wait_dma2 semaphore(%run_scoped3A : memref<!tpu.dma_semaphore, #tpu.memory_space<semaphore_mem>>) src(%arg13 : memref<128x128xf32, #tpu.memory_space<vmem>>) dst(%dma_wait3A_140 : memref<128x128xf32, #tpu.memory_space<hbm>>)
        tpu.yield
      }) : () -> ()
      %dma_start3A_125 = arith.constant 0 : i32
      %dma_start3A_126 = tpu.memref_slice %arg10[%dma_start3A_125] : memref<10112xf32, #tpu.memory_space<vmem_shared>> -> memref<10112xf32, #tpu.memory_space<vmem_shared>>
      tpu.enqueue_indirect_dma source(%dma_start3A_126 : memref<10112xf32, #tpu.memory_space<vmem_shared>>) target(%arg14 : memref<128xf32, #tpu.memory_space<vmem>>) offsets(%arg12 : memref<128xi32, #tpu.memory_space<vmem>>) semaphore(%arg15 : memref<!tpu.dma_semaphore, #tpu.memory_space<semaphore_mem>>)
      %dma_wait3A_127 = arith.constant 0 : i32
      %dma_wait3A_128 = tpu.memref_slice %arg10[%dma_wait3A_127] : memref<10112xf32, #tpu.memory_space<vmem_shared>> -> memref<10112xf32, #tpu.memory_space<vmem_shared>>
      tpu.wait_indirect_dma semaphore(%arg15 : memref<!tpu.dma_semaphore, #tpu.memory_space<semaphore_mem>>) src(%dma_wait3A_128 : memref<10112xf32, #tpu.memory_space<vmem_shared>>) dst(%arg14 : memref<128xf32, #tpu.memory_space<vmem>>)
      "tpu.region"() ({
        %run_scoped3A = tpu.sem_alloc : memref<!tpu.dma_semaphore, #tpu.memory_space<semaphore_mem>>
        %dma_start3A_129 = tpu.memref_slice %arg8[%arg0, %add3A_120] : memref<2x8192xf32, #tpu.memory_space<hbm>> -> memref<1x128xf32, #tpu.memory_space<hbm>>
        %dma_start3A_130 = tpu.memref_squeeze %dma_start3A_129 : memref<1x128xf32, #tpu.memory_space<hbm>> -> memref<128xf32, #tpu.memory_space<hbm>>
        %dma_start3A_131 = tpu.memref_slice %arg8[%arg0, %add3A_120] : memref<2x8192xf32, #tpu.memory_space<hbm>> -> memref<1x128xf32, #tpu.memory_space<hbm>>
        %dma_start3A_132 = tpu.memref_squeeze %dma_start3A_131 : memref<1x128xf32, #tpu.memory_space<hbm>> -> memref<128xf32, #tpu.memory_space<hbm>>
        tpu.enqueue_dma source(%arg14 : memref<128xf32, #tpu.memory_space<vmem>>) target(%dma_start3A_132 : memref<128xf32, #tpu.memory_space<hbm>>) target_semaphore(%run_scoped3A : memref<!tpu.dma_semaphore, #tpu.memory_space<semaphore_mem>>)
        %dma_wait3A_133 = tpu.memref_slice %arg8[%arg0, %add3A_120] : memref<2x8192xf32, #tpu.memory_space<hbm>> -> memref<1x128xf32, #tpu.memory_space<hbm>>
        %dma_wait3A_134 = tpu.memref_squeeze %dma_wait3A_133 : memref<1x128xf32, #tpu.memory_space<hbm>> -> memref<128xf32, #tpu.memory_space<hbm>>
        %dma_wait3A_135 = tpu.memref_slice %arg8[%arg0, %add3A_120] : memref<2x8192xf32, #tpu.memory_space<hbm>> -> memref<1x128xf32, #tpu.memory_space<hbm>>
        %dma_wait3A_136 = tpu.memref_squeeze %dma_wait3A_135 : memref<1x128xf32, #tpu.memory_space<hbm>> -> memref<128xf32, #tpu.memory_space<hbm>>
        tpu.wait_dma2 semaphore(%run_scoped3A : memref<!tpu.dma_semaphore, #tpu.memory_space<semaphore_mem>>) src(%arg14 : memref<128xf32, #tpu.memory_space<vmem>>) dst(%dma_wait3A_136 : memref<128xf32, #tpu.memory_space<hbm>>)
        tpu.yield
      }) : () -> ()
    }
    %scan3A_105 = arith.constant 4 : i32
    %scan3A_106 = arith.constant 0 : i32
    %scan3A_107 = arith.constant 2 : i32
    %scan3A_108 = arith.addi %scan3A_106, %scan3A_107 : i32
    %scan3A_109 = arith.constant 1 : i32
    scf.for %scan3A_111 = %scan3A_106 to %scan3A_108 step %scan3A_109  : i32 {
      %mul3A_112 = arith.constant 1 : i32
      %mul3A_113 = arith.muli %scan3A_111, %mul3A_112 : i32
      %add3A_114 = arith.constant 0 : i32
      %add3A_115 = arith.addi %add3A_114, %mul3A_113 : i32
      %mul3A_116 = arith.constant 256 : i32
      %mul3A_117 = arith.muli %add3A, %mul3A_116 : i32
      %mul3A_118 = arith.constant 128 : i32
      %mul3A_119 = arith.muli %add3A_115, %mul3A_118 : i32
      %add3A_120 = arith.addi %mul3A_117, %mul3A_119 : i32
      "tpu.region"() ({
        %run_scoped3A = tpu.sem_alloc : memref<!tpu.dma_semaphore, #tpu.memory_space<semaphore_mem>>
        %dma_start3A_125 = tpu.memref_slice %arg5[%add3A_120] : memref<8192xi32, #tpu.memory_space<hbm>> -> memref<128xi32, #tpu.memory_space<hbm>>
        %dma_start3A_126 = tpu.memref_slice %arg5[%add3A_120] : memref<8192xi32, #tpu.memory_space<hbm>> -> memref<128xi32, #tpu.memory_space<hbm>>
        tpu.enqueue_dma source(%dma_start3A_126 : memref<128xi32, #tpu.memory_space<hbm>>) target(%arg12 : memref<128xi32, #tpu.memory_space<vmem>>) target_semaphore(%run_scoped3A : memref<!tpu.dma_semaphore, #tpu.memory_space<semaphore_mem>>)
        %dma_wait3A_127 = tpu.memref_slice %arg5[%add3A_120] : memref<8192xi32, #tpu.memory_space<hbm>> -> memref<128xi32, #tpu.memory_space<hbm>>
        %dma_wait3A_128 = tpu.memref_slice %arg5[%add3A_120] : memref<8192xi32, #tpu.memory_space<hbm>> -> memref<128xi32, #tpu.memory_space<hbm>>
        tpu.wait_dma2 semaphore(%run_scoped3A : memref<!tpu.dma_semaphore, #tpu.memory_space<semaphore_mem>>) src(%dma_wait3A_128 : memref<128xi32, #tpu.memory_space<hbm>>) dst(%arg12 : memref<128xi32, #tpu.memory_space<vmem>>)
        tpu.yield
      }) : () -> ()
      %dma_start3A = arith.constant 0 : i32
      %dma_start3A_121 = arith.constant 0 : i32
      %dma_start3A_122 = tpu.memref_slice %arg4[%dma_start3A, %dma_start3A_121] : memref<10000x128xf32, #tpu.memory_space<hbm>> -> memref<10000x128xf32, #tpu.memory_space<hbm>>
      tpu.enqueue_indirect_dma source(%dma_start3A_122 : memref<10000x128xf32, #tpu.memory_space<hbm>>) target(%arg13 : memref<128x128xf32, #tpu.memory_space<vmem>>) offsets(%arg12 : memref<128xi32, #tpu.memory_space<vmem>>) semaphore(%arg15 : memref<!tpu.dma_semaphore, #tpu.memory_space<semaphore_mem>>)
      %dma_wait3A = arith.constant 0 : i32
      %dma_wait3A_123 = arith.constant 0 : i32
      %dma_wait3A_124 = tpu.memref_slice %arg4[%dma_wait3A, %dma_wait3A_123] : memref<10000x128xf32, #tpu.memory_space<hbm>> -> memref<10000x128xf32, #tpu.memory_space<hbm>>
      tpu.wait_indirect_dma semaphore(%arg15 : memref<!tpu.dma_semaphore, #tpu.memory_space<semaphore_mem>>) src(%dma_wait3A_124 : memref<10000x128xf32, #tpu.memory_space<hbm>>) dst(%arg13 : memref<128x128xf32, #tpu.memory_space<vmem>>)
      "tpu.region"() ({
        %run_scoped3A = tpu.sem_alloc : memref<!tpu.dma_semaphore, #tpu.memory_space<semaphore_mem>>
        %dma_start3A_125 = arith.constant 0 : i32
        %dma_start3A_126 = tpu.memref_slice %arg7[%add3A_120, %dma_start3A_125] : memref<8192x128xf32, #tpu.memory_space<hbm>> -> memref<128x128xf32, #tpu.memory_space<hbm>>
        %dma_start3A_127 = arith.constant 0 : i32
        %dma_start3A_128 = tpu.memref_slice %arg7[%add3A_120, %dma_start3A_127] : memref<8192x128xf32, #tpu.memory_space<hbm>> -> memref<128x128xf32, #tpu.memory_space<hbm>>
        tpu.enqueue_dma source(%arg13 : memref<128x128xf32, #tpu.memory_space<vmem>>) target(%dma_start3A_128 : memref<128x128xf32, #tpu.memory_space<hbm>>) target_semaphore(%run_scoped3A : memref<!tpu.dma_semaphore, #tpu.memory_space<semaphore_mem>>)
        %dma_wait3A_129 = arith.constant 0 : i32
        %dma_wait3A_130 = tpu.memref_slice %arg7[%add3A_120, %dma_wait3A_129] : memref<8192x128xf32, #tpu.memory_space<hbm>> -> memref<128x128xf32, #tpu.memory_space<hbm>>
        %dma_wait3A_131 = arith.constant 0 : i32
        %dma_wait3A_132 = tpu.memref_slice %arg7[%add3A_120, %dma_wait3A_131] : memref<8192x128xf32, #tpu.memory_space<hbm>> -> memref<128x128xf32, #tpu.memory_space<hbm>>
        tpu.wait_dma2 semaphore(%run_scoped3A : memref<!tpu.dma_semaphore, #tpu.memory_space<semaphore_mem>>) src(%arg13 : memref<128x128xf32, #tpu.memory_space<vmem>>) dst(%dma_wait3A_132 : memref<128x128xf32, #tpu.memory_space<hbm>>)
        tpu.yield
      }) : () -> ()
    }
    %scan3A_110 = arith.constant 2 : i32
    return
  }
}

module attributes {stable_mosaic.version = 14 : i64} {
  func.func @_tc_body(%arg0: i32, %arg1: memref<1024x128xf32, #tpu.memory_space<vmem>>, %arg2: memref<1024x128xf32, #tpu.memory_space<vmem>>, %arg3: memref<1024x128xf32, #tpu.memory_space<vmem>>, %arg4: memref<1024x1xf32, #tpu.memory_space<vmem>>, %arg5: memref<1024x1xf32, #tpu.memory_space<vmem>>, %arg6: memref<128x256xf32, #tpu.memory_space<vmem>>, %arg7: memref<128x128xf32, #tpu.memory_space<vmem>>, %arg8: memref<1x128xf32, #tpu.memory_space<vmem>>, %arg9: memref<1024x128xf32, #tpu.memory_space<vmem>>) attributes {dimension_semantics = [#tpu.dimension_semantics<arbitrary>], iteration_bounds = array<i64: 8>, scalar_prefetch = 0 : i64, scratch_operands = 0 : i64, tpu.core_type = #tpu.core_type<tc>, window_params = [{transform_indices = @transform_0, window_bounds = array<i64: 1024, 128>}, {transform_indices = @transform_1, window_bounds = array<i64: 1024, 128>}, {transform_indices = @transform_2, window_bounds = array<i64: 1024, 128>}, {transform_indices = @transform_3, window_bounds = array<i64: 1024, 1>}, {transform_indices = @transform_4, window_bounds = array<i64: 1024, 1>}, {pipeline_mode = #tpu.pipeline_mode<synchronous>, transform_indices = @transform_5, window_bounds = array<i64: 128, 256>}, {pipeline_mode = #tpu.pipeline_mode<synchronous>, transform_indices = @transform_6, window_bounds = array<i64: 128, 128>}, {pipeline_mode = #tpu.pipeline_mode<synchronous>, transform_indices = @transform_7, window_bounds = array<i64: 1, 128>}, {transform_indices = @transform_8, window_bounds = array<i64: 1024, 128>}]} {
    %get3A = arith.constant 0 : index
    %get3A_0 = arith.constant 0 : index
    %get3A_1 = vector.load %arg4[%get3A, %get3A_0] : memref<1024x1xf32, #tpu.memory_space<vmem>>, vector<1024x1xf32>
    %get3A_2 = arith.constant 0 : index
    %get3A_3 = arith.constant 0 : index
    %get3A_4 = vector.load %arg5[%get3A_2, %get3A_3] : memref<1024x1xf32, #tpu.memory_space<vmem>>, vector<1024x1xf32>
    %add3A = arith.addf %get3A_1, %get3A_4 : vector<1024x1xf32>
    %get3A_5 = arith.constant 0 : index
    %get3A_6 = arith.constant 0 : index
    %get3A_7 = vector.load %arg2[%get3A_5, %get3A_6] : memref<1024x128xf32, #tpu.memory_space<vmem>>, vector<1024x128xf32>
    %get3A_8 = arith.constant 0 : index
    %get3A_9 = arith.constant 0 : index
    %get3A_10 = vector.load %arg3[%get3A_8, %get3A_9] : memref<1024x128xf32, #tpu.memory_space<vmem>>, vector<1024x128xf32>
    %add3A_11 = arith.addf %get3A_7, %get3A_10 : vector<1024x128xf32>
    %max3A = arith.constant 1.000000e+00 : f32
    %max3A_12 = vector.broadcast %max3A : f32 to vector<1024x1xf32>
    %max3A_13 = arith.maximumf %add3A, %max3A_12 : vector<1024x1xf32>
    %div3A = vector.broadcast %max3A_13 : vector<1024x1xf32> to vector<1024x128xf32>
    %div3A_14 = arith.divf %add3A_11, %div3A : vector<1024x128xf32>
    %get3A_15 = arith.constant 0 : index
    %get3A_16 = arith.constant 0 : index
    %get3A_17 = vector.load %arg1[%get3A_15, %get3A_16] : memref<1024x128xf32, #tpu.memory_space<vmem>>, vector<1024x128xf32>
    %concatenate3A = tpu.concatenate %get3A_17, %div3A_14 in 1 : vector<1024x128xf32>, vector<1024x128xf32> -> vector<1024x256xf32>
    %get3A_18 = arith.constant 0 : index
    %get3A_19 = arith.constant 0 : index
    %get3A_20 = vector.load %arg6[%get3A_18, %get3A_19] : memref<128x256xf32, #tpu.memory_space<vmem>>, vector<128x256xf32>
    %dot_general3A = arith.constant dense<0.000000e+00> : vector<1024x128xf32>
    %dot_general3A_21 = tpu.matmul %concatenate3A, %get3A_20, %dot_general3A {dimension_numbers = #tpu.dot_dimension_numbers<[1], [1], [0], [0], [0, 0, 1, 0], [], []>, transpose_lhs_hint = false} : vector<1024x256xf32>, vector<128x256xf32>, vector<1024x128xf32> -> vector<1024x128xf32>
    %max3A_22 = arith.constant 0.000000e+00 : f32
    %max3A_23 = vector.broadcast %max3A_22 : f32 to vector<1024x128xf32>
    %max3A_24 = arith.maximumf %dot_general3A_21, %max3A_23 : vector<1024x128xf32>
    %get3A_25 = arith.constant 0 : index
    %get3A_26 = arith.constant 0 : index
    %get3A_27 = vector.load %arg7[%get3A_25, %get3A_26] : memref<128x128xf32, #tpu.memory_space<vmem>>, vector<128x128xf32>
    %dot_general3A_28 = arith.constant dense<0.000000e+00> : vector<1024x128xf32>
    %dot_general3A_29 = tpu.matmul %max3A_24, %get3A_27, %dot_general3A_28 {dimension_numbers = #tpu.dot_dimension_numbers<[1], [1], [0], [0], [0, 0, 1, 0], [], []>, transpose_lhs_hint = false} : vector<1024x128xf32>, vector<128x128xf32>, vector<1024x128xf32> -> vector<1024x128xf32>
    %get3A_30 = arith.constant 0 : index
    %get3A_31 = arith.constant 0 : index
    %get3A_32 = vector.load %arg8[%get3A_30, %get3A_31] : memref<1x128xf32, #tpu.memory_space<vmem>>, vector<1x128xf32>
    %add3A_33 = vector.broadcast %get3A_32 : vector<1x128xf32> to vector<1024x128xf32>
    %add3A_34 = arith.addf %dot_general3A_29, %add3A_33 : vector<1024x128xf32>
    %swap3A = arith.constant 0 : index
    %swap3A_35 = arith.constant 0 : index
    %swap3A_36 = vector.load %arg9[%swap3A, %swap3A_35] : memref<1024x128xf32, #tpu.memory_space<vmem>>, vector<1024x128xf32>
    tpu.vector_store %arg9[%swap3A, %swap3A_35], %add3A_34 {strides = array<i32>} : memref<1024x128xf32, #tpu.memory_space<vmem>>, vector<1024x128xf32>,
    return
  }
  func.func @transform_0(%arg0: i32) -> (i32, i32) {
    %c0_i32 = arith.constant 0 : i32
    %c0_i32_0 = arith.constant 0 : i32
    return %arg0, %c0_i32 : i32, i32
  }
  func.func @transform_1(%arg0: i32) -> (i32, i32) {
    %c0_i32 = arith.constant 0 : i32
    %c0_i32_0 = arith.constant 0 : i32
    return %arg0, %c0_i32 : i32, i32
  }
  func.func @transform_2(%arg0: i32) -> (i32, i32) {
    %c0_i32 = arith.constant 0 : i32
    %c0_i32_0 = arith.constant 0 : i32
    return %arg0, %c0_i32 : i32, i32
  }
  func.func @transform_3(%arg0: i32) -> (i32, i32) {
    %c0_i32 = arith.constant 0 : i32
    %c0_i32_0 = arith.constant 0 : i32
    return %arg0, %c0_i32 : i32, i32
  }
  func.func @transform_4(%arg0: i32) -> (i32, i32) {
    %c0_i32 = arith.constant 0 : i32
    %c0_i32_0 = arith.constant 0 : i32
    return %arg0, %c0_i32 : i32, i32
  }
  func.func @transform_5(%arg0: i32) -> (i32, i32) {
    %c0_i32 = arith.constant 0 : i32
    %c0_i32_0 = arith.constant 0 : i32
    %c0_i32_1 = arith.constant 0 : i32
    return %c0_i32, %c0_i32_0 : i32, i32
  }
  func.func @transform_6(%arg0: i32) -> (i32, i32) {
    %c0_i32 = arith.constant 0 : i32
    %c0_i32_0 = arith.constant 0 : i32
    %c0_i32_1 = arith.constant 0 : i32
    return %c0_i32, %c0_i32_0 : i32, i32
  }
  func.func @transform_7(%arg0: i32) -> (i32, i32) {
    %c0_i32 = arith.constant 0 : i32
    %c0_i32_0 = arith.constant 0 : i32
    %c0_i32_1 = arith.constant 0 : i32
    return %c0_i32, %c0_i32_0 : i32, i32
  }
  func.func @transform_8(%arg0: i32) -> (i32, i32) {
    %c0_i32 = arith.constant 0 : i32
    %c0_i32_0 = arith.constant 0 : i32
    return %arg0, %c0_i32 : i32, i32
  }
}

</mosaic_0001>

<sc_bundles>
// kernel: kernel.4.cloned.1.call-start
scs
__scs_entry_jumppad:
0x0: {  	(pc) =	sbr.rel $0x88, $3  }
0x1: {  	(tag) =	ssettag $0x0;
	lr =	simm.s32 $0x1  }
0x2: {  	[smem:$0x3F9B] =	sst lr;
	_ =	strace $0xD0000000  }
0x3: {  	_ = 	snop  }
0x4: {  	_ = 	snop  }
0x5: {  	_ = 	snop  }
0x6: {  	_ = 	snop  }
0x7: {  	_ = 	snop  }
__scs_overlays_trampoline_lowered:
0x8: {  	[smem:$0x3FAA] =	sst s0  }
0x9: {  	[smem:$0x3FAB] =	sst s1  }
0xa: {  	[smem:$0x3FAC] =	sst s2  }
0xb: {  	[smem:$0x3FAD] =	sst s3  }
0xc: {  	[smem:$0x3FAE] =	sst s4  }
0xd: {  	[smem:$0x3FAF] =	sst s5  }
0xe: {  	[smem:$0x3FB0] =	sst s6  }
0xf: {  	[smem:$0x3FB1] =	sst s7  }
0x10: {  	[smem:$0x3FB2] =	sst s8  }
0x11: {  	[smem:$0x3FB3] =	sst s9;
	s0 =	simm.s32 @!p0 $0x0  }
0x12: {  	s1 =	sld [smem:$0x3F99];
	s0 =	simm.s32 @p0 $0x1  }
0x13: {  	[smem:$0x3FB4] =	sst s0;
	s0 =	simm.s32 @!p1 $0x0  }
0x14: {  	s2 =	sld [smem:$0x3F98];
	s0 =	simm.s32 @p1 $0x1  }
0x15: {  	[smem:$0x3FB5] =	sst s0;
	s0 =	simm.s32 @!p2 $0x0  }
0x16: {  	s3 =	sld [smem:$0x3FDB];
	s0 =	simm.s32 @p2 $0x1  }
0x17: {  	s4 =	simm.s32 $0x1BF5;
	[smem:$0x3FB7] =	sst s0  }
0x18: {  	s0 =	sld [smem:$0x3F9A];
	_ =	swait.ge [sflag:s4], $0x0  }
0x19: {  	s7 =	sld [smem:$0x3F9B]  }
0x1a: {  	s8 =	sadd.s32 $0xFFFFE003, lr  }
0x1b: {  	s9 =	sadd.s32 $0xFFFFFEF7, lr;
	s5 =	simm.s32 $0xFFFFFFFF;
	p2 =	slt.u32 s8, $0xFFFFF086  }
0x1c: {  	p1 =	slt.u32 s9, $0xF7A;
	s5 =	simm.s32 @!p2 $0x0  }
0x1d: {  	s5 =	simm.s32 @p1 $0x1;
	p0 =	seq.s32 s7, s2  }
0x1e: {  	s7 =	smul.u32 @!p0 $0xF7A, s2;
	p2 =	seq.s32 @!p0 s5, $0x0  }
0x1f: {  	s9 =	smul.u32 $0xF7A, s1;
	s8 =	simm.s32 @!p0 $0x1BF5;
	p2 =	por !p2, p0  }
0x20: {  	[sflag:s8] =	ssyncset.s32 @!p0 $0xFFFFF086;
	s6 =	sadd.s32 @!p0 s3, s7;
	s7 =	simm.s32 @!p0 $0x108  }
0x21: {  	s3 =	sadd.s32 s3, s9;
	s6 =	sadd.s32 @!p0 $0x88, s6;
	s7 =	simm.s32 @p2 $0x1082  }
0x22: {  	[simem:s7], [sflag:s8] =	dma.local @!p0 [hbm:s6], $0xF7A  }
0x23: {  	s9 =	sor.u32 $0xD0000000, s2;
	s6 =	simm.s32 $0x108;
	_ =	swait.ge @!p0 [sflag:s8], $0x0  }
0x24: {  	s3 =	sadd.s32 $0x88, s3;
	s6 =	simm.s32 @!p1 $0x1082;
	[sflag:s4] =	ssyncset.s32 $0xFFFFF086  }
0x25: {  	[simem:s6], [sflag:s4] =	dma.local [hbm:s3], $0xF7A  }
0x26: {  	[smem:$0x3F9B] =	sst s1;
	(tag) =	ssettag s2;
	_ =	strace s9  }
0x27: {  	s1 =	sld [smem:$0x3FAB]  }
0x28: {  	s2 =	sld [smem:$0x3FAC]  }
0x29: {  	s4 =	sld [smem:$0x3FAE]  }
0x2a: {  	p0 =	seq.s32 s5, $0x0;
	s5 =	sld [smem:$0x3FAF]  }
0x2b: {  	s6 =	sld [smem:$0x3FB0]  }
0x2c: {  	s7 =	sld [smem:$0x3FB1]  }
0x2d: {  	s3 =	simm.s32 $0x108;
	s8 =	sld [smem:$0x3FB2]  }
0x2e: {  	s3 =	simm.s32 @!p0 $0x1082;
	s9 =	sld [smem:$0x3FB3]  }
0x2f: {  	lr =	sadd.s32 s0, s3;
	s0 =	sld [smem:$0x3FAA]  }
0x30: {  	s3 =	sld [smem:$0x3FAD]  }
0x31: {  	[smem:$0x3FB6] =	sst s10  }
0x32: {  	s10 =	sld [smem:$0x3FB4];
	_ =	sdelay $0x3  }
0x33: {  	p0 =	seq.s32 s10, $0x1;
	s10 =	sld [smem:$0x3FB6];
	_ =	sdelay $0x3  }
0x34: {  	[smem:$0x3FB6] =	sst s10  }
0x35: {  	s10 =	sld [smem:$0x3FB5];
	_ =	sdelay $0x3  }
0x36: {  	p1 =	seq.s32 s10, $0x1;
	s10 =	sld [smem:$0x3FB6];
	_ =	sdelay $0x3  }
0x37: {  	[smem:$0x3FB6] =	sst s10  }
0x38: {  	s10 =	sld [smem:$0x3FB7]  }
0x39: {  	_ = 	snop;
	(pc) =	sbr.ind lr, $3  }
0x3a: {  	_ = 	snop  }
0x3b: {  	_ = 	snop  }
0x3c: {  	p2 =	seq.s32 s10, $0x1;
	s10 =	sld [smem:$0x3FB6]  }
0x3d: {  	_ =	shalt  }
0x3e: {  	_ =	shalt  }
0x3f: {  	_ =	shalt  }
0x40: {  	_ =	shalt  }
0x41: {  	_ =	shalt  }
0x42: {  	_ =	shalt  }
0x43: {  	_ =	shalt  }
0x44: {  	_ =	shalt  }
0x45: {  	_ =	shalt  }
0x46: {  	_ =	shalt  }
0x47: {  	_ =	shalt  }
0x48: {  	_ =	shalt  }
0x49: {  	_ =	shalt  }
0x4a: {  	_ =	shalt  }
0x4b: {  	_ =	shalt  }
0x4c: {  	_ =	shalt  }
0x4d: {  	_ =	shalt  }
0x4e: {  	_ =	shalt  }
0x4f: {  	_ =	shalt  }
0x50: {  	_ =	shalt  }
0x51: {  	_ =	shalt  }
0x52: {  	_ =	shalt  }
0x53: {  	_ =	shalt  }
0x54: {  	_ =	shalt  }
0x55: {  	_ =	shalt  }
0x56: {  	_ =	shalt  }
0x57: {  	_ =	shalt  }
0x58: {  	_ =	shalt  }
0x59: {  	_ =	shalt  }
0x5a: {  	_ =	shalt  }
0x5b: {  	_ =	shalt  }
0x5c: {  	_ =	shalt  }
0x5d: {  	_ =	shalt  }
0x5e: {  	_ =	shalt  }
0x5f: {  	_ =	shalt  }
0x60: {  	_ =	shalt  }
0x61: {  	_ =	shalt  }
0x62: {  	_ =	shalt  }
0x63: {  	_ =	shalt  }
0x64: {  	_ =	shalt  }
0x65: {  	_ =	shalt  }
0x66: {  	_ =	shalt  }
0x67: {  	_ =	shalt  }
0x68: {  	_ =	shalt  }
0x69: {  	_ =	shalt  }
0x6a: {  	_ =	shalt  }
0x6b: {  	_ =	shalt  }
0x6c: {  	_ =	shalt  }
0x6d: {  	_ =	shalt  }
0x6e: {  	_ =	shalt  }
0x6f: {  	_ =	shalt  }
0x70: {  	_ =	shalt  }
0x71: {  	_ =	shalt  }
0x72: {  	_ =	shalt  }
0x73: {  	_ =	shalt  }
0x74: {  	_ =	shalt  }
0x75: {  	_ =	shalt  }
0x76: {  	_ =	shalt  }
0x77: {  	_ =	shalt  }
0x78: {  	_ =	shalt  }
0x79: {  	_ =	shalt  }
0x7a: {  	_ =	shalt  }
0x7b: {  	_ =	shalt  }
0x7c: {  	_ =	shalt  }
0x7d: {  	_ =	shalt  }
0x7e: {  	_ =	shalt  }
0x7f: {  	_ =	shalt  }
0x80: {  	_ =	shalt  }
0x81: {  	_ =	shalt  }
0x82: {  	_ =	shalt  }
0x83: {  	_ =	shalt  }
0x84: {  	_ =	shalt  }
0x85: {  	_ =	shalt  }
0x86: {  	_ =	shalt  }
0x87: {  	_ =	shalt  }
.Lfunc_end0:
.L_simem_size_0:
called_computation_lowered:
.L_overlay_start_0:
0x88: {  	s2 =	sld [smem:$0x3FD9]  }
0x89: {  	s3 =	sld [smem:$0x3FFE];
	_ =	sdelay $0x1  }
0x8a: {  	s1 =	srdreg.scid  }
0x8b: {  	s0 =	sand.u32 $0x1, s1  }
0x8c: {  	s17 =	sshll.u32 s0, $0xA;
	s2 =	sadd.s32 s3, s2  }
0x8d: {  	s2 =	sadd.s32 s2, s17  }
0x8e: {  	[smem:$0x3FC2] =	sst s2  }
0x8f: {  	_ = 	snop  }
0x90: {  	s2 =	sld [smem:$0x3FC9]  }
0x91: {  	s18 =	sld [smem:$0x3FC8]  }
0x92: {  	s4 =	sld [smem:$0x3FD0];
	(tm) =	ssettm $0x1  }
0x93: {  	s5 =	sld [smem:$0x3FFB];
	_ =	sdelay $0x3  }
0x94: {  	_ =	strace s5  }
0x95: {  	s5 =	sld [smem:$0x3FFC];
	_ =	sdelay $0x3  }
0x96: {  	_ =	strace s5  }
0x97: {  	s5 =	sld [smem:$0x3FFD];
	_ =	sdelay $0x3  }
0x98: {  	_ =	strace s5  }
0x99: {  	_ =	strace $0x8FFFFFFF  }
0x9a: {  	s19 =	sld [smem:$0x3FDB];
	_ =	sdelay $0x1  }
0x9b: {  	s6 =	simm.s32 $_scs_section_size  }
0x9c: {  	s7 =	simm.s32 $_size__tile_overlayer_lowered;
	s8 =	simm.s32 $_tile_overlayer_lowered  }
0x9d: {  	s22 =	simm.s32 $0x1BFF;
	s21 =	sshll.u32 s8, $0x1;
	s5 =	sadd.s32 s6, s19  }
0x9e: {  	s9 =	simm.s32 $0x0;
	s20 =	sshll.u32 s7, $0x1;
	s7 =	sadd.s32 s21, s5  }
0x9f: {  	[timem:s9], [sflag:s22] =	dma.local [hbm:s7], s20  }
0xa0: {  	_ =	swait.ge [sflag:s22], s20  }
0xa1: {  	s6 =	ssub.s32 $0x0, s20;
	[sflag:s22] =	ssyncset.done $0x0  }
0xa2: {  	[sflag:s22] =	ssyncadd.s32 s6;
	_ =	sdelay $0x1  }
0xa3: {  	s23 =	simm.s32 $0x1B8B  }
0xa4: {  	_ =	swait.ge [sflag:s23], $0x1  }
0xa5: {  	[sflag:s23] =	ssyncset.done $0x0  }
0xa6: {  	s25 =	simm.s32 $0x1B8E;
	s24 =	sld [smem:$0x3FFE];
	[sflag:s23] =	ssyncadd.s32 $0xFFFFFFFF  }
0xa7: {  	s26 =	simm.s32 $execute0_lowered;
	[smem:$0x3FD2] =	sst s25  }
0xa8: {  	s7 =	sshll.u32 s26, $0x1;
	_ =	strace $0x80000046;
	[dreg:$0x1] =	wrdreg $0xFFFFFFFF  }
0xa9: {  	s28 =	simm.s32 $_size_execute0_lowered;
	s5 =	sadd.s32 s5, s7;
	[dreg:$0x0] =	wrdreg $0x0  }
0xaa: {  	s7 =	sshll.u32 s28, $0x1;
	[dreg:$0x2] =	wrdreg s5  }
0xab: {  	[dreg:$0x3] =	wrdreg s7  }
0xac: {  	[dreg:$0x4] =	wrdreg $0xC0  }
0xad: {  	_ =	task [dreg:s9], $0x5FFFF  }
0xae: {  	[dreg:$0x1] =	wrdreg $0xFFFFFFFF  }
0xaf: {  	[dreg:$0x0] =	wrdreg $0x60  }
0xb0: {  	[dreg:$0x2] =	wrdreg s24  }
0xb1: {  	[dreg:$0x3] =	wrdreg s18  }
0xb2: {  	[dreg:$0x4] =	wrdreg s2  }
0xb3: {  	[dreg:$0x5] =	wrdreg s4  }
0xb4: {  	[dreg:$0x6] =	wrdreg $0x0  }
0xb5: {  	[dreg:$0x7] =	wrdreg $0x13C000  }
0xb6: {  	[dreg:$0x8] =	wrdreg $0x9  }
0xb7: {  	_ =	task.clear_ibuf [dreg:s9], $0x9FFFF;
	_ =	strace $0x90000046  }
0xb8: {  	s29 =	simm.s32 $0x9;
	_ =	strace $0x80000048  }
0xb9: {  	_ =	swait.ge [sflag:s29], $0x1  }
0xba: {  	[sflag:s29] =	ssyncadd.s32 $0xFFFFFFFF  }
0xbb: {  	_ =	strace $0x90000048  }
0xbc: {  	_ =	sfence  }
0xbd: {  	s30 =	sld [smem:$0x0];
	_ =	sdelay $0x2  }
0xbe: {  	s31 =	sshll.u32 s1, $0xD;
	s1 =	sshrl.u32 s1, $0x2  }
0xbf: {  	s3 =	sand.u32 $0x4000, s31;
	s1 =	sadd.s32 s1, s30  }
0xc0: {  	s0 =	sor.u32 s3, s0;
	s1 =	sshll.u32 s1, $0x11  }
0xc1: {  	s0 =	sor.u32 s1, s0  }
0xc2: {  	s0 =	sadd.s32 $0x8F2B, s0  }
0xc3: {  	[sflag:s0] =	ssyncadd.remote.s32 $0x1  }
0xc4: {  	_ =	sfence.sel $0xFFFF  }
0xc5: {  	[dreg:$0x0] =	wrdreg $0xFFFFFFFF;
	(pc) =	sbr.abs _section_cstart, $3  }
0xc6: {  	[dreg:$0x1] =	wrdreg $0xFFFFFFFF  }
0xc7: {  	_ =	task.clear_ibuf [dreg:s9], $0x2FFFF;
	_ =	strace $0x9FFFFFFF  }
0xc8: {  	(tm) =	ssettm $0x7FFFFFFF  }
0xc9: {  	_ =	shalt  }
tec
execute0_lowered:
.L_overlay_start_1:
0x0: {  	(tag) =	ssettag $0x1  }
0x1: {  	s4 =	rddreg [dreg:$0x0]  }
0x2: {  	s0 =	rddreg [dreg:$0x1]  }
0x3: {  	s6 =	rddreg [dreg:$0x2]  }
0x4: {  	s5 =	rddreg [dreg:$0x3]  }
0x5: {  	s2 =	srdreg.scid;
	s1 =	rddreg [dreg:$0x4]  }
0x6: {  	s3 =	simm.s32 $0x0;
	s8 =	sand.u32 $0x1, s2;
	s2 =	rddreg [dreg:$0x5]  }
0x7: {  	s21 =	stileid.u32;
	[smem:$0x7FF] =	sst s3  }
0x8: {  	s13 =	sadd.s32 $0x54A00, s4;
	s23 =	sshll.u32 s21, $0x9;
	s24 =	sshll.u32 s21, $0xD  }
0x9: {  	s25 =	sshll.u32 s21, $0xA;
	s7 =	smul.u32 $0x4F00, s8;
	s9 =	sshll.u32 s8, $0x11  }
0xa: {  	s22 =	ssub.s32 $0x2, s8;
	s12 =	sshll.u32 s8, $0x4;
	s8 =	sshll.u32 s8, $0x7  }
0xb: {  	s16 =	sor.u32 $0x80, s23;
	s9 =	sadd.s32 s9, s4;
	s11 =	sshrl.u32 s22, $0x1  }
0xc: {  	s17 =	sshll.u32 s16, $0x4;
	s18 =	sshll.u32 s16, $0x1;
	s10 =	sadd.s32 s7, s4  }
0xd: {  	s4 =	ssub.s32 s22, s11;
	s11 =	sor.u32 s21, s12;
	s7 =	smul.u32 $0x278, s21  }
0xe: {  	s9 =	sadd.s32 $0x14A00, s9;
	s12 =	sor.u32 $0x180, s23;
	s18 =	sor.u32 s8, s18  }
0xf: {  	s14 =	sshll.u32 s11, $0x8;
	s15 =	sshll.u32 s11, $0x5;
	s17 =	sadd.s32 s17, s9  }
0x10: {  	s26 =	sshll.u32 s12, $0x4;
	s22 =	sshll.u32 s12, $0x1;
	s4 =	smax.u32 s4, $0x1  }
0x11: {  	s15 =	sadd.s32 s6, s15;
	[dreg:$0x9] =	wrdreg s17;
	s17 =	sor.u32 $0x100, s23  }
0x12: {  	[dreg:$0x7] =	wrdreg s15;
	s15 =	sadd.s32 s24, s9;
	s19 =	sshll.u32 s17, $0x4  }
0x13: {  	s20 =	sshll.u32 s17, $0x1;
	s24 =	sshll.u32 s21, $0x6;
	[dreg:$0x8] =	wrdreg s15  }
0x14: {  	s15 =	sor.u32 s8, s25;
	s19 =	sadd.s32 s19, s9;
	s9 =	sadd.s32 s26, s9  }
0x15: {  	s23 =	sor.u32 s8, s20;
	s8 =	sor.u32 s8, s22;
	s26 =	sshrl.u32 s16, $0x3  }
0x16: {  	s16 =	sshrl.u32 s18, $0x3;
	s18 =	sshrl.u32 s17, $0x3;
	[dreg:$0xa] =	wrdreg s19  }
0x17: {  	s22 =	sshrl.u32 s12, $0x3;
	s12 =	smul.u32 $0x4F000, s21;
	[dreg:$0xb] =	wrdreg s9  }
0x18: {  	s9 =	sadd.s32 s6, s24;
	s25 =	sshrl.u32 s15, $0x3;
	s15 =	sadd.s32 s6, s26  }
0x19: {  	s19 =	sshrl.u32 s23, $0x3;
	s8 =	sshrl.u32 s8, $0x3;
	s23 =	sor.u32 $0x80, s14  }
0x1a: {  	s24 =	sshll.u32 s11, $0xC;
	s26 =	smul.u32 $0x4F0, s21;
	[dreg:$0xc] =	wrdreg s9  }
0x1b: {  	s14 =	sadd.s32 $0x80, s7;
	s9 =	sadd.s32 s13, s25;
	[dreg:$0xe] =	wrdreg s15  }
0x1c: {  	s20 =	sadd.s32 s13, s19;
	s8 =	sadd.s32 s13, s8;
	[dreg:$0xd] =	wrdreg s9  }
0x1d: {  	s25 =	sshrl.u32 s23, $0x3;
	s11 =	sshll.u32 s23, $0x4;
	[dreg:$0x11] =	wrdreg s20  }
0x1e: {  	s15 =	sadd.s32 $0x100, s7;
	s9 =	sadd.s32 s13, s16;
	[dreg:$0x13] =	wrdreg s8  }
0x1f: {  	s8 =	sadd.s32 s5, s24;
	s21 =	sadd.s32 s5, s11;
	s13 =	sshrl.u32 s12, $0x2  }
0x20: {  	s16 =	sshll.u32 s14, $0x7;
	s17 =	sshll.u32 s15, $0x7;
	s24 =	sadd.s32 s14, s2  }
0x21: {  	s28 =	sadd.s32 s15, s2;
	s11 =	simm.s32 $0x13EF8;
	s12 =	simm.s32 $0x80  }
0x22: {  	s14 =	simm.s32 $0x0;
	[dreg:$0xf] =	wrdreg s9;
	s9 =	sadd.s32 s6, s18  }
0x23: {  	[dreg:$0x14] =	wrdreg s8;
	s23 =	sadd.s32 s16, s1;
	s18 =	sadd.s32 $0x180, s7  }
0x24: {  	s8 =	simm.s32 $0x2;
	[dreg:$0x10] =	wrdreg s9;
	s9 =	sadd.s32 s6, s22  }
0x25: {  	s6 =	sadd.s32 s6, s25;
	s22 =	sadd.s32 s13, s1;
	s25 =	sadd.s32 s17, s1  }
0x26: {  	s19 =	sshll.u32 s18, $0x7;
	s30 =	sadd.s32 s18, s2;
	[dreg:$0x12] =	wrdreg s9  }
0x27: {  	s13 =	simm.s32 $0x1;
	[dreg:$0x15] =	wrdreg s6;
	s6 =	sadd.s32 s26, s10  }
0x28: {  	s26 =	sadd.s32 s7, s2;
	s7 =	sadd.s32 $0x200, s7;
	s29 =	sadd.s32 s19, s1  }
0x29: {  	s9 =	simm.s32 $0x17F78;
	s10 =	simm.s32 $0x13E78;
	_ =	strace $0x80000047  }
0x2a: {  	s20 =	sshll.u32 s7, $0x7;
	s18 =	sadd.s32 s7, s2;
	s5 =	sadd.s32 $0xAC00, s6  }
0x2b: {  	v0 =	vimm.f32 $0.0e+00;
	v1 =	vimm.f32 $1.000000000e+00;
	s6 =	sadd.s32 $0xE00, s6;
	s7 =	simm.s32 $0x13F78;
	s31 =	sadd.s32 s20, s1  }
.LBB2_1:
0x2c: {  	s15 =	simm.s32 $0x0;
	s16 =	simm.s32 $0x200  }
.LBB2_2:
0x2d: {  	p0 =	sne.s32 s16, $0xFE00;
	[tilespmem:s15+$0x13FE8] =	vst v0  }
0x2e: {  	[tilespmem:s15+$0x13F78] =	vst v0  }
0x2f: {  	[tilespmem:s15+$0x13F88] =	vst v0  }
.Ltmp0:
0x30: {  	[tilespmem:s15+$0x13F98] =	vst v0;
	(pc) =	sbr.rel @p0 .LBB2_2-.Ltmp0, $4  }
0x31: {  	[tilespmem:s15+$0x13FA8] =	vst v0  }
0x32: {  	[tilespmem:s15+$0x13FB8] =	vst v0  }
0x33: {  	[tilespmem:s15+$0x13FC8] =	vst v0  }
0x34: {  	[tilespmem:s15+$0x13FD8] =	vst v0;
	s15 =	sshra.s32 s16, $0x2;
	s16 =	sadd.s32 $0x200, s16  }
0x35: {  	[tilespmem:s15+$0x13FE8] =	vst v0  }
0x36: {  	[tilespmem:s15+$0x13F78] =	vst v0  }
0x37: {  	[tilespmem:s15+$0x13F88] =	vst v0  }
0x38: {  	[tilespmem:s15+$0x13F98] =	vst v0  }
0x39: {  	[tilespmem:s15+$0x13FA8] =	vst v0  }
0x3a: {  	[tilespmem:s15+$0x13FB8] =	vst v0  }
0x3b: {  	[tilespmem:s15+$0x13FC8] =	vst v0  }
0x3c: {  	[tilespmem:s15+$0x13FD8] =	vst v0  }
0x3d: {  	[tilespmem:$0x17F78] =	vst v0  }
0x3e: {  	[tilespmem:$0x17F88] =	vst v0  }
0x3f: {  	[tilespmem:$0x17F98] =	vst v0  }
0x40: {  	[tilespmem:$0x17FA8] =	vst v0  }
0x41: {  	[tilespmem:$0x17FB8] =	vst v0  }
0x42: {  	[tilespmem:$0x17FC8] =	vst v0  }
0x43: {  	[tilespmem:$0x17FD8] =	vst v0  }
0x44: {  	[tilespmem:$0x17FE8] =	vst v0  }
0x45: {  	[spmem:s22] =	stream.linear.scatter [tilespmem:s7], [sflag:$0x2], $0x4000, $0x38;
	[tilespmem:$0x17FF8] =	vst v63  }
0x46: {  	_ =	swait.ge [sflag:s8], $0x4000  }
0x47: {  	[sflag:s8] =	ssyncset.done $0x0  }
0x48: {  	[sflag:s8] =	ssyncadd.s32 $0xFFFFC000  }
0x49: {  	[spmem:s26] =	stream.linear.scatter [tilespmem:s9], [sflag:$0x2], $0x80, $0x38;
	[tilespmem:$0x17FF8] =	vst v63  }
0x4a: {  	_ =	swait.ge [sflag:s8], $0x80  }
0x4b: {  	[sflag:s8] =	ssyncset.done $0x0  }
0x4c: {  	[sflag:s8] =	ssyncadd.s32 $0xFFFFFF80  }
0x4d: {  	[spmem:s23] =	stream.linear.scatter [tilespmem:s7], [sflag:$0x2], $0x4000, $0x38;
	[tilespmem:$0x17FF8] =	vst v63  }
0x4e: {  	_ =	swait.ge [sflag:s8], $0x4000  }
0x4f: {  	[sflag:s8] =	ssyncset.done $0x0  }
0x50: {  	[sflag:s8] =	ssyncadd.s32 $0xFFFFC000  }
0x51: {  	[spmem:s24] =	stream.linear.scatter [tilespmem:s9], [sflag:$0x2], $0x80, $0x38;
	[tilespmem:$0x17FF8] =	vst v63  }
0x52: {  	_ =	swait.ge [sflag:s8], $0x80  }
0x53: {  	[sflag:s8] =	ssyncset.done $0x0  }
0x54: {  	[sflag:s8] =	ssyncadd.s32 $0xFFFFFF80  }
0x55: {  	[spmem:s25] =	stream.linear.scatter [tilespmem:s7], [sflag:$0x2], $0x4000, $0x38;
	[tilespmem:$0x17FF8] =	vst v63  }
0x56: {  	_ =	swait.ge [sflag:s8], $0x4000  }
0x57: {  	[sflag:s8] =	ssyncset.done $0x0  }
0x58: {  	[sflag:s8] =	ssyncadd.s32 $0xFFFFC000  }
0x59: {  	[spmem:s28] =	stream.linear.scatter [tilespmem:s9], [sflag:$0x2], $0x80, $0x38;
	[tilespmem:$0x17FF8] =	vst v63  }
0x5a: {  	_ =	swait.ge [sflag:s8], $0x80  }
0x5b: {  	[sflag:s8] =	ssyncset.done $0x0  }
0x5c: {  	[sflag:s8] =	ssyncadd.s32 $0xFFFFFF80  }
0x5d: {  	[spmem:s29] =	stream.linear.scatter [tilespmem:s7], [sflag:$0x2], $0x4000, $0x38;
	[tilespmem:$0x17FF8] =	vst v63  }
0x5e: {  	_ =	swait.ge [sflag:s8], $0x4000  }
0x5f: {  	[sflag:s8] =	ssyncset.done $0x0  }
0x60: {  	[sflag:s8] =	ssyncadd.s32 $0xFFFFC000  }
0x61: {  	[spmem:s30] =	stream.linear.scatter [tilespmem:s9], [sflag:$0x2], $0x80, $0x38;
	[tilespmem:$0x17FF8] =	vst v63  }
0x62: {  	_ =	swait.ge [sflag:s8], $0x80  }
0x63: {  	[sflag:s8] =	ssyncset.done $0x0  }
0x64: {  	[sflag:s8] =	ssyncadd.s32 $0xFFFFFF80  }
0x65: {  	[spmem:s31] =	stream.linear.scatter [tilespmem:s7], [sflag:$0x2], $0x3C00, $0x38;
	[tilespmem:$0x17FF8] =	vst v63  }
0x66: {  	_ =	swait.ge [sflag:s8], $0x3C00  }
0x67: {  	[sflag:s8] =	ssyncset.done $0x0  }
0x68: {  	[sflag:s8] =	ssyncadd.s32 $0xFFFFC400  }
0x69: {  	[spmem:s18] =	stream.linear.scatter [tilespmem:s9], [sflag:$0x2], $0x78, $0x38;
	[tilespmem:$0x17FF8] =	vst v63  }
0x6a: {  	_ =	swait.ge [sflag:s8], $0x78  }
0x6b: {  	[sflag:s8] =	ssyncset.done $0x0  }
0x6c: {  	[sflag:s8] =	ssyncadd.s32 $0xFFFFFF88  }
0x6d: {  	[tilespmem:$0x17F78] =	vst v1  }
0x6e: {  	[tilespmem:$0x17F88] =	vst v1  }
0x6f: {  	[tilespmem:$0x17F98] =	vst v1  }
0x70: {  	[tilespmem:$0x17FA8] =	vst v1  }
0x71: {  	[tilespmem:$0x17FB8] =	vst v1  }
0x72: {  	[tilespmem:$0x17FC8] =	vst v1  }
0x73: {  	[tilespmem:$0x17FD8] =	vst v1  }
0x74: {  	[tilespmem:$0x17FE8] =	vst v1  }
0x75: {  	s19 =	sadd.s32 $0x0, s6;
	[bflag:$0x0] =	sbarrier.arrive $0xFFFF  }
0x76: {  	[tilespmem:s10], [sflag:$0x2] =	stream.linear.gather [hbm4b:s19+s3], $0x80, $0x38;
	[tilespmem:$0x17FF8] =	vst v63  }
0x77: {  	_ =	swait.ge [sflag:s8], $0x80  }
0x78: {  	[sflag:s8] =	ssyncset.done $0x0  }
0x79: {  	s20 =	sadd.s32 $0x0, s5;
	[sflag:s8] =	ssyncadd.s32 $0xFFFFFF80  }
0x7a: {  	[tilespmem:s11], [sflag:$0x2] =	stream.linear.gather [hbm4b:s20+s3], $0x80, $0x38;
	[tilespmem:$0x17FF8] =	vst v63  }
0x7b: {  	_ =	swait.ge [sflag:s8], $0x80  }
0x7c: {  	[sflag:s8] =	ssyncset.done $0x0  }
0x7d: {  	[sflag:s8] =	ssyncadd.s32 $0xFFFFFF80  }
0x7e: {  	[tilespmem:s7], [sflag:$0x1] =	stream.indirect.gather [hbm4b:s0+s12], $0x80, s10, s12, $0xb8;
	[tilespmem:$0x17FF8] =	vst v63  }
0x7f: {  	_ =	swait.ge [sflag:s13], $0x4000  }
0x80: {  	[sflag:s13] =	ssyncset.done $0x0  }
0x81: {  	[sflag:s13] =	ssyncadd.s32 $0xFFFFC000  }
0x82: {  	[spmem:s1] =	stream.indirect.scatter.add.f32 [tilespmem:s7], [sflag:$0x2], $0x80, s11, s12, $0xb8;
	[tilespmem:$0x17FF8] =	vst v63  }
0x83: {  	_ =	swait.ge [sflag:s8], $0x4000  }
0x84: {  	[sflag:s8] =	ssyncset.done $0x0  }
0x85: {  	[sflag:s8] =	ssyncadd.s32 $0xFFFFC000  }
0x86: {  	[spmem:s2] =	stream.indirect.scatter.add.f32 [tilespmem:s9], [sflag:$0x2], $0x1, s11, s12, $0xb8;
	[tilespmem:$0x17FF8] =	vst v63  }
0x87: {  	_ =	swait.ge [sflag:s8], $0x80  }
0x88: {  	s15 =	simm.s32 $0x10;
	s16 =	simm.s32 $0x20;
	[sflag:s8] =	ssyncset.done $0x0  }
.LBB2_4:
0x89: {  	s17 =	sadd.s32 s15, s6  }
0x8a: {  	[sflag:s8] =	ssyncadd.s32 $0xFFFFFF80;
	s19 =	smov.u32 s16;
	s20 =	sadd.s32 $0x10, s16  }
0x8b: {  	[tilespmem:s10], [sflag:$0x2] =	stream.linear.gather [hbm4b:s17+s3], $0x80, $0x38;
	[tilespmem:$0x17FF8] =	vst v63  }
0x8c: {  	p0 =	sne.s32 s16, $0x4E0;
	_ =	swait.ge [sflag:s8], $0x80  }
0x8d: {  	[sflag:s8] =	ssyncset.done $0x0  }
0x8e: {  	s16 =	sadd.s32 s15, s5;
	s15 =	smov.u32 s19;
	[sflag:s8] =	ssyncadd.s32 $0xFFFFFF80  }
0x8f: {  	[tilespmem:s11], [sflag:$0x2] =	stream.linear.gather [hbm4b:s16+s3], $0x80, $0x38;
	[tilespmem:$0x17FF8] =	vst v63  }
0x90: {  	_ =	swait.ge [sflag:s8], $0x80  }
0x91: {  	[sflag:s8] =	ssyncset.done $0x0  }
0x92: {  	[sflag:s8] =	ssyncadd.s32 $0xFFFFFF80  }
0x93: {  	[tilespmem:s7], [sflag:$0x1] =	stream.indirect.gather [hbm4b:s0+s12], $0x80, s10, s12, $0xb8;
	[tilespmem:$0x17FF8] =	vst v63  }
0x94: {  	_ =	swait.ge [sflag:s13], $0x4000  }
0x95: {  	[sflag:s13] =	ssyncset.done $0x0  }
0x96: {  	[sflag:s13] =	ssyncadd.s32 $0xFFFFC000  }
0x97: {  	[spmem:s1] =	stream.indirect.scatter.add.f32 [tilespmem:s7], [sflag:$0x2], $0x80, s11, s12, $0xb8;
	[tilespmem:$0x17FF8] =	vst v63  }
0x98: {  	_ =	swait.ge [sflag:s8], $0x4000  }
.Ltmp1:
0x99: {  	[sflag:s8] =	ssyncset.done $0x0;
	(pc) =	sbr.rel @p0 .LBB2_4-.Ltmp1, $4  }
0x9a: {  	[sflag:s8] =	ssyncadd.s32 $0xFFFFC000  }
0x9b: {  	[spmem:s2] =	stream.indirect.scatter.add.f32 [tilespmem:s9], [sflag:$0x2], $0x1, s11, s12, $0xb8;
	[tilespmem:$0x17FF8] =	vst v63  }
0x9c: {  	_ =	swait.ge [sflag:s8], $0x80  }
0x9d: {  	s16 =	smov.u32 s20;
	[sflag:s8] =	ssyncset.done $0x0  }
0x9e: {  	s16 =	sadd.s32 s15, s6;
	[sflag:s8] =	ssyncadd.s32 $0xFFFFFF80  }
0x9f: {  	[tilespmem:s10], [sflag:$0x2] =	stream.linear.gather [hbm4b:s16+s3], $0x80, $0x38;
	[tilespmem:$0x17FF8] =	vst v63  }
0xa0: {  	_ =	swait.ge [sflag:s8], $0x80  }
0xa1: {  	[sflag:s8] =	ssyncset.done $0x0  }
0xa2: {  	s16 =	sadd.s32 s15, s5;
	[sflag:s8] =	ssyncadd.s32 $0xFFFFFF80  }
0xa3: {  	[tilespmem:s11], [sflag:$0x2] =	stream.linear.gather [hbm4b:s16+s3], $0x80, $0x38;
	[tilespmem:$0x17FF8] =	vst v63  }
0xa4: {  	_ =	swait.ge [sflag:s8], $0x80  }
0xa5: {  	[sflag:s8] =	ssyncset.done $0x0  }
0xa6: {  	[sflag:s8] =	ssyncadd.s32 $0xFFFFFF80  }
0xa7: {  	[tilespmem:s7], [sflag:$0x1] =	stream.indirect.gather [hbm4b:s0+s12], $0x80, s10, s12, $0xb8;
	[tilespmem:$0x17FF8] =	vst v63  }
0xa8: {  	_ =	swait.ge [sflag:s13], $0x4000  }
0xa9: {  	[sflag:s13] =	ssyncset.done $0x0  }
0xaa: {  	[sflag:s13] =	ssyncadd.s32 $0xFFFFC000  }
0xab: {  	[spmem:s1] =	stream.indirect.scatter.add.f32 [tilespmem:s7], [sflag:$0x2], $0x80, s11, s12, $0xb8;
	[tilespmem:$0x17FF8] =	vst v63  }
0xac: {  	_ =	swait.ge [sflag:s8], $0x4000  }
0xad: {  	[sflag:s8] =	ssyncset.done $0x0  }
0xae: {  	[sflag:s8] =	ssyncadd.s32 $0xFFFFC000  }
0xaf: {  	[spmem:s2] =	stream.indirect.scatter.add.f32 [tilespmem:s9], [sflag:$0x2], $0x1, s11, s12, $0xb8;
	[tilespmem:$0x17FF8] =	vst v63  }
0xb0: {  	_ =	swait.ge [sflag:s8], $0x80  }
0xb1: {  	[sflag:s8] =	ssyncset.done $0x0  }
0xb2: {  	[sflag:s8] =	ssyncadd.s32 $0xFFFFFF80  }
0xb3: {  	[bflag:$0x0] =	sbarrier.arrive $0xFFFF  }
0xb4: {  	s17 =	rddreg [dreg:$0xc]  }
0xb5: {  	[tilespmem:s11], [sflag:$0x2] =	stream.linear.gather [hbm4b:s17+s3], $0x80, $0x38;
	[tilespmem:$0x17FF8] =	vst v63  }
0xb6: {  	_ =	swait.ge [sflag:s8], $0x80  }
0xb7: {  	[sflag:s8] =	ssyncset.done $0x0  }
0xb8: {  	[sflag:s8] =	ssyncadd.s32 $0xFFFFFF80  }
0xb9: {  	[tilespmem:s7], [sflag:$0x1] =	stream.indirect.gather [spmem:s1], $0x80, s11, s12, $0xb8;
	[tilespmem:$0x17FF8] =	vst v63  }
0xba: {  	_ =	swait.ge [sflag:s13], $0x4000  }
0xbb: {  	[sflag:s13] =	ssyncset.done $0x0  }
0xbc: {  	s19 =	rddreg [dreg:$0x8];
	[sflag:s13] =	ssyncadd.s32 $0xFFFFC000  }
0xbd: {  	[hbm4b:s19+s3] =	stream.linear.scatter [tilespmem:s7], [sflag:$0x2], $0x4000, $0x38;
	[tilespmem:$0x17FF8] =	vst v63  }
0xbe: {  	_ =	swait.ge [sflag:s8], $0x4000  }
0xbf: {  	[sflag:s8] =	ssyncset.done $0x0  }
0xc0: {  	[sflag:s8] =	ssyncadd.s32 $0xFFFFC000  }
0xc1: {  	[tilespmem:s9], [sflag:$0x1] =	stream.indirect.gather [spmem:s2], $0x1, s11, s12, $0xb8;
	[tilespmem:$0x17FF8] =	vst v63  }
0xc2: {  	_ =	swait.ge [sflag:s13], $0x80  }
0xc3: {  	[sflag:s13] =	ssyncset.done $0x0  }
0xc4: {  	s20 =	rddreg [dreg:$0xd];
	[sflag:s13] =	ssyncadd.s32 $0xFFFFFF80  }
0xc5: {  	[hbm4b:s20+s3] =	stream.linear.scatter [tilespmem:s9], [sflag:$0x2], $0x80, $0x38;
	[tilespmem:$0x17FF8] =	vst v63  }
0xc6: {  	_ =	swait.ge [sflag:s8], $0x80  }
0xc7: {  	[sflag:s8] =	ssyncset.done $0x0  }
0xc8: {  	s16 =	rddreg [dreg:$0xe];
	[sflag:s8] =	ssyncadd.s32 $0xFFFFFF80  }
0xc9: {  	[tilespmem:s11], [sflag:$0x2] =	stream.linear.gather [hbm4b:s16+s3], $0x80, $0x38;
	[tilespmem:$0x17FF8] =	vst v63  }
0xca: {  	_ =	swait.ge [sflag:s8], $0x80  }
0xcb: {  	[sflag:s8] =	ssyncset.done $0x0  }
0xcc: {  	[sflag:s8] =	ssyncadd.s32 $0xFFFFFF80  }
0xcd: {  	[tilespmem:s7], [sflag:$0x1] =	stream.indirect.gather [spmem:s1], $0x80, s11, s12, $0xb8;
	[tilespmem:$0x17FF8] =	vst v63  }
0xce: {  	_ =	swait.ge [sflag:s13], $0x4000  }
0xcf: {  	[sflag:s13] =	ssyncset.done $0x0  }
0xd0: {  	s17 =	rddreg [dreg:$0x9];
	[sflag:s13] =	ssyncadd.s32 $0xFFFFC000  }
0xd1: {  	[hbm4b:s17+s3] =	stream.linear.scatter [tilespmem:s7], [sflag:$0x2], $0x4000, $0x38;
	[tilespmem:$0x17FF8] =	vst v63  }
0xd2: {  	_ =	swait.ge [sflag:s8], $0x4000  }
0xd3: {  	[sflag:s8] =	ssyncset.done $0x0  }
0xd4: {  	[sflag:s8] =	ssyncadd.s32 $0xFFFFC000  }
0xd5: {  	[tilespmem:s9], [sflag:$0x1] =	stream.indirect.gather [spmem:s2], $0x1, s11, s12, $0xb8;
	[tilespmem:$0x17FF8] =	vst v63  }
0xd6: {  	_ =	swait.ge [sflag:s13], $0x80  }
0xd7: {  	[sflag:s13] =	ssyncset.done $0x0  }
0xd8: {  	s19 =	rddreg [dreg:$0xf];
	[sflag:s13] =	ssyncadd.s32 $0xFFFFFF80  }
0xd9: {  	[hbm4b:s19+s3] =	stream.linear.scatter [tilespmem:s9], [sflag:$0x2], $0x80, $0x38;
	[tilespmem:$0x17FF8] =	vst v63  }
0xda: {  	_ =	swait.ge [sflag:s8], $0x80  }
0xdb: {  	[sflag:s8] =	ssyncset.done $0x0  }
0xdc: {  	s20 =	rddreg [dreg:$0x10];
	[sflag:s8] =	ssyncadd.s32 $0xFFFFFF80  }
0xdd: {  	[tilespmem:s11], [sflag:$0x2] =	stream.linear.gather [hbm4b:s20+s3], $0x80, $0x38;
	[tilespmem:$0x17FF8] =	vst v63  }
0xde: {  	_ =	swait.ge [sflag:s8], $0x80  }
0xdf: {  	[sflag:s8] =	ssyncset.done $0x0  }
0xe0: {  	[sflag:s8] =	ssyncadd.s32 $0xFFFFFF80  }
0xe1: {  	[tilespmem:s7], [sflag:$0x1] =	stream.indirect.gather [spmem:s1], $0x80, s11, s12, $0xb8;
	[tilespmem:$0x17FF8] =	vst v63  }
0xe2: {  	_ =	swait.ge [sflag:s13], $0x4000  }
0xe3: {  	[sflag:s13] =	ssyncset.done $0x0  }
0xe4: {  	s16 =	rddreg [dreg:$0xa];
	[sflag:s13] =	ssyncadd.s32 $0xFFFFC000  }
0xe5: {  	[hbm4b:s16+s3] =	stream.linear.scatter [tilespmem:s7], [sflag:$0x2], $0x4000, $0x38;
	[tilespmem:$0x17FF8] =	vst v63  }
0xe6: {  	_ =	swait.ge [sflag:s8], $0x4000  }
0xe7: {  	[sflag:s8] =	ssyncset.done $0x0  }
0xe8: {  	[sflag:s8] =	ssyncadd.s32 $0xFFFFC000  }
0xe9: {  	[tilespmem:s9], [sflag:$0x1] =	stream.indirect.gather [spmem:s2], $0x1, s11, s12, $0xb8;
	[tilespmem:$0x17FF8] =	vst v63  }
0xea: {  	_ =	swait.ge [sflag:s13], $0x80  }
0xeb: {  	[sflag:s13] =	ssyncset.done $0x0  }
0xec: {  	s17 =	rddreg [dreg:$0x11];
	[sflag:s13] =	ssyncadd.s32 $0xFFFFFF80  }
0xed: {  	[hbm4b:s17+s3] =	stream.linear.scatter [tilespmem:s9], [sflag:$0x2], $0x80, $0x38;
	[tilespmem:$0x17FF8] =	vst v63  }
0xee: {  	_ =	swait.ge [sflag:s8], $0x80  }
0xef: {  	[sflag:s8] =	ssyncset.done $0x0  }
0xf0: {  	s19 =	rddreg [dreg:$0x12];
	[sflag:s8] =	ssyncadd.s32 $0xFFFFFF80  }
0xf1: {  	[tilespmem:s11], [sflag:$0x2] =	stream.linear.gather [hbm4b:s19+s3], $0x80, $0x38;
	[tilespmem:$0x17FF8] =	vst v63  }
0xf2: {  	_ =	swait.ge [sflag:s8], $0x80  }
0xf3: {  	[sflag:s8] =	ssyncset.done $0x0  }
0xf4: {  	[sflag:s8] =	ssyncadd.s32 $0xFFFFFF80  }
0xf5: {  	[tilespmem:s7], [sflag:$0x1] =	stream.indirect.gather [spmem:s1], $0x80, s11, s12, $0xb8;
	[tilespmem:$0x17FF8] =	vst v63  }
0xf6: {  	_ =	swait.ge [sflag:s13], $0x4000  }
0xf7: {  	[sflag:s13] =	ssyncset.done $0x0  }
0xf8: {  	s20 =	rddreg [dreg:$0xb];
	[sflag:s13] =	ssyncadd.s32 $0xFFFFC000  }
0xf9: {  	[hbm4b:s20+s3] =	stream.linear.scatter [tilespmem:s7], [sflag:$0x2], $0x4000, $0x38;
	[tilespmem:$0x17FF8] =	vst v63  }
0xfa: {  	_ =	swait.ge [sflag:s8], $0x4000  }
0xfb: {  	[sflag:s8] =	ssyncset.done $0x0  }
0xfc: {  	[sflag:s8] =	ssyncadd.s32 $0xFFFFC000  }
0xfd: {  	[tilespmem:s9], [sflag:$0x1] =	stream.indirect.gather [spmem:s2], $0x1, s11, s12, $0xb8;
	[tilespmem:$0x17FF8] =	vst v63  }
0xfe: {  	_ =	swait.ge [sflag:s13], $0x80  }
0xff: {  	[sflag:s13] =	ssyncset.done $0x0  }
0x100: {  	s16 =	rddreg [dreg:$0x13];
	[sflag:s13] =	ssyncadd.s32 $0xFFFFFF80  }
0x101: {  	[hbm4b:s16+s3] =	stream.linear.scatter [tilespmem:s9], [sflag:$0x2], $0x80, $0x38;
	[tilespmem:$0x17FF8] =	vst v63  }
0x102: {  	_ =	swait.ge [sflag:s8], $0x80  }
0x103: {  	[sflag:s8] =	ssyncset.done $0x0  }
0x104: {  	s17 =	rddreg [dreg:$0x7];
	[sflag:s8] =	ssyncadd.s32 $0xFFFFFF80  }
0x105: {  	[tilespmem:s11], [sflag:$0x2] =	stream.linear.gather [hbm4b:s17+s3], $0x80, $0x38;
	[tilespmem:$0x17FF8] =	vst v63  }
0x106: {  	_ =	swait.ge [sflag:s8], $0x80  }
0x107: {  	[sflag:s8] =	ssyncset.done $0x0  }
0x108: {  	[sflag:s8] =	ssyncadd.s32 $0xFFFFFF80  }
0x109: {  	[tilespmem:s7], [sflag:$0x1] =	stream.indirect.gather [hbm4b:s0+s12], $0x80, s11, s12, $0xb8;
	[tilespmem:$0x17FF8] =	vst v63  }
0x10a: {  	_ =	swait.ge [sflag:s13], $0x4000  }
0x10b: {  	[sflag:s13] =	ssyncset.done $0x0  }
0x10c: {  	s19 =	rddreg [dreg:$0x14];
	[sflag:s13] =	ssyncadd.s32 $0xFFFFC000  }
0x10d: {  	[hbm4b:s19+s3] =	stream.linear.scatter [tilespmem:s7], [sflag:$0x2], $0x4000, $0x38;
	[tilespmem:$0x17FF8] =	vst v63  }
0x10e: {  	_ =	swait.ge [sflag:s8], $0x4000  }
0x10f: {  	[sflag:s8] =	ssyncset.done $0x0  }
0x110: {  	s20 =	rddreg [dreg:$0x15];
	[sflag:s8] =	ssyncadd.s32 $0xFFFFC000  }
0x111: {  	[tilespmem:s11], [sflag:$0x2] =	stream.linear.gather [hbm4b:s20+s3], $0x80, $0x38;
	[tilespmem:$0x17FF8] =	vst v63  }
0x112: {  	_ =	swait.ge [sflag:s8], $0x80  }
0x113: {  	[sflag:s8] =	ssyncset.done $0x0  }
0x114: {  	[sflag:s8] =	ssyncadd.s32 $0xFFFFFF80  }
0x115: {  	[tilespmem:s7], [sflag:$0x1] =	stream.indirect.gather [hbm4b:s0+s12], $0x80, s11, s12, $0xb8;
	[tilespmem:$0x17FF8] =	vst v63  }
0x116: {  	s14 =	sadd.s32 $0x1, s14;
	_ =	swait.ge [sflag:s13], $0x4000  }
0x117: {  	p0 =	sne.s32 s14, s4;
	[sflag:s13] =	ssyncset.done $0x0  }
.Ltmp2:
0x118: {  	[sflag:s13] =	ssyncadd.s32 $0xFFFFC000;
	(pc) =	sbr.rel @p0 .LBB2_1-.Ltmp2, $4  }
0x119: {  	[hbm4b:s21+s3] =	stream.linear.scatter [tilespmem:s7], [sflag:$0x2], $0x4000, $0x38;
	[tilespmem:$0x17FF8] =	vst v63  }
0x11a: {  	_ =	swait.ge [sflag:s8], $0x4000  }
0x11b: {  	[sflag:s8] =	ssyncset.done $0x0  }
0x11c: {  	[sflag:s8] =	ssyncadd.s32 $0xFFFFC000  }
0x11d: {  	_ =	sfence.sel $0x180000  }
0x11e: {  	[bflag:$0x0] =	sbarrier.arrive $0xFFFF  }
0x11f: {  	_ =	strace $0x90000047  }
0x120: {  	s0 =	stileid.u32;
	[bflag:$0x2] =	sbarrier.arrive $0xFFFF  }
0x121: {  	p0 =	sne.s32 s0, $0x0;
	s0 =	rddreg [dreg:$0x6]  }
0x122: {  	s0 =	sadd.s32 @!p0 $0x100000, s0  }
0x123: {  	[sflag:s0] =	ssyncadd.tile.s32 @!p0 $0x1;
	_ =	shalt  }
.Lfunc_end2:
_tile_overlayer_lowered:
.L_overlay_start_2:
0x124: {  	(tag) =	ssettag $0x2  }
0x125: {  	s0 =	rddreg [dreg:$0x0];
	s2 =	stileid.u32  }
0x126: {  	s1 =	rddreg [dreg:$0x1];
	p0 =	sne.s32 s2, $0x0  }
0x127: {  	s3 =	rddreg [dreg:$0x2];
	[bflag:$0x3] =	sbarrier.arrive $0xFFFF;
	s2 =	simm.s32 @!p0 $0x1C02  }
0x128: {  	[timem:s3], [sflag:s2] =	dma.local @!p0 [hbm:s0], s1  }
0x129: {  	s0 =	simm.s32 @!p0 $0x2  }
0x12a: {  	_ =	swait.ge @!p0 [sflag:s0], s1  }
0x12b: {  	s1 =	ssub.s32 @!p0 $0x0, s1;
	[sflag:s0] =	ssyncset.done @!p0 $0x0  }
0x12c: {  	[sflag:s0] =	ssyncadd.s32 @!p0 s1  }
0x12d: {  	[bflag:$0x3] =	sbarrier.arrive $0xFFFF  }
0x12e: {  	_ =	shalt  }

</sc_bundles>
